<compile_context>
chip_gen: v7x
topology: tpu7x:2x2x1
jax: 0.10.2.dev20260603
libtpu: 0.0.44.dev20260713+nightly
codegen_flags: <defaults>
</compile_context>

<pallas_src>
import numpy as np
import jax
import jax.numpy as jnp
from jax.experimental import pallas as pl

F32 = jnp.float32
FRAMES = 8
SEGMENTS = 16
EPS = 1e-5


def _mel_body(x_ref, w_ref, b_ref, caw_ref, cab_ref,
              x0_ref, x1_ref, pred_ref):
    x = x_ref[...]
    y = (jnp.dot(x[:, 0, :], w_ref[...], preferred_element_type=F32)
         + jnp.dot(x[:, 1, :], w_ref[...], preferred_element_type=F32)
         + jnp.dot(x[:, 2, :], w_ref[...], preferred_element_type=F32)
         + jnp.dot(x[:, 3, :], w_ref[...], preferred_element_type=F32)
         ) * 0.25 + b_ref[0]
    x0_ref[...] = y[:, :512].reshape(16, 125, 512)
    x1_ref[...] = y[:, 512:].reshape(16, 125, 512)
    pooled = y.reshape(16, 125, 1024).mean(axis=1)
    p512 = (pooled[:, :512] + pooled[:, 512:]) * 0.5
    pred_ref[...] = (
        jnp.dot(p512, caw_ref[...], preferred_element_type=F32)
        + cab_ref[0]
    )


def _mel_call(a4, mel_w, mel_b, caw, cab):
    full = lambda shape: pl.BlockSpec(shape, lambda: tuple(0 for _ in shape))
    return pl.pallas_call(
        _mel_body,
        grid=(),
        in_specs=[
            full((2000, 4, 64)), full((64, 1024)), full((1, 1024)),
            full((512, 15)), full((1, 15)),
        ],
        out_specs=[
            full((16, 125, 512)), full((16, 125, 512)), full((16, 15)),
        ],
        out_shape=[
            jax.ShapeDtypeStruct((16, 125, 512), F32),
            jax.ShapeDtypeStruct((16, 125, 512), F32),
            jax.ShapeDtypeStruct((16, 15), F32),
        ],
    )(a4, mel_w, mel_b, caw, cab)


def _vis_body(x_ref, w_ref, b_ref, cw_ref, cb_ref, w9_ref,
              y_ref, cam_ref, pv_ref, sum_ref, sq_ref):
    x = x_ref[...]
    v3 = jax.lax.dot_general(x, w_ref[...], (((2,), (0,)), ((), ())),
                             preferred_element_type=F32) + b_ref[0]
    v3 = jnp.maximum(v3, 0.0)
    cam3 = jax.lax.dot_general(v3, cw_ref[...], (((2,), (0,)), ((), ())),
                               preferred_element_type=F32) + cb_ref[0]
    pv_ref[0] = cam3.mean(axis=1)
    cam_ref[...] = jnp.transpose(jnp.maximum(cam3, 0.0), (0, 2, 1))
    fv4 = v3.reshape(8, 7, 7, 512)
    zc = jnp.zeros((8, 7, 1, 512), F32)
    fvw = jnp.concatenate([zc, fv4, zc], axis=2)
    zr = jnp.zeros((8, 1, 9, 512), F32)
    fvp = jnp.concatenate([zr, fvw, zr], axis=1)
    acc = jnp.zeros((392, 512), F32)
    for k in range(9):
        dh, dw = k // 3, k % 3
        xs = fvp[:, dh:dh + 7, dw:dw + 7, :].reshape(392, 512)
        acc = acc + jnp.dot(xs, w9_ref[k], preferred_element_type=F32)
    y_ref[...] = acc.reshape(8, 49, 512)
    sum_ref[0, 0] = acc.sum(axis=0)
    sq_ref[0, 0] = (acc * acc).sum(axis=0)


def _vis_call(patches, patch_w, patch_b, cls_v_w, cls_v_b, w9):
    return pl.pallas_call(
        _vis_body,
        grid=(16,),
        in_specs=[
            pl.BlockSpec((8, 49, 3072), lambda i: (i, 0, 0)),
            pl.BlockSpec((3072, 512), lambda i: (0, 0)),
            pl.BlockSpec((1, 512), lambda i: (0, 0)),
            pl.BlockSpec((512, 15), lambda i: (0, 0)),
            pl.BlockSpec((1, 15), lambda i: (0, 0)),
            pl.BlockSpec((9, 512, 512), lambda i: (0, 0, 0)),
        ],
        out_specs=[
            pl.BlockSpec((8, 49, 512), lambda i: (i, 0, 0)),
            pl.BlockSpec((8, 15, 49), lambda i: (i, 0, 0)),
            pl.BlockSpec((1, 8, 15), lambda i: (i, 0, 0)),
            pl.BlockSpec((1, 1, 512), lambda i: (i, 0, 0)),
            pl.BlockSpec((1, 1, 512), lambda i: (i, 0, 0)),
        ],
        out_shape=[
            jax.ShapeDtypeStruct((128, 49, 512), F32),
            jax.ShapeDtypeStruct((128, 15, 49), F32),
            jax.ShapeDtypeStruct((16, 8, 15), F32),
            jax.ShapeDtypeStruct((16, 1, 512), F32),
            jax.ShapeDtypeStruct((16, 1, 512), F32),
        ],
    )(patches, patch_w, patch_b, cls_v_w, cls_v_b, w9)


def _spabn_body(y_ref, sc_ref, sh_ref, out_ref, emb_ref):
    y = y_ref[...]
    h = jnp.maximum(y * sc_ref[0] + sh_ref[0], 0.0)
    emb_ref[...] = h.max(axis=1)
    out_ref[...] = h


def _spabn_call(y, scale, shift):
    return pl.pallas_call(
        _spabn_body,
        grid=(16,),
        in_specs=[
            pl.BlockSpec((8, 49, 512), lambda i: (i, 0, 0)),
            pl.BlockSpec((1, 512), lambda i: (0, 0)),
            pl.BlockSpec((1, 512), lambda i: (0, 0)),
        ],
        out_specs=[
            pl.BlockSpec((8, 49, 512), lambda i: (i, 0, 0)),
            pl.BlockSpec((8, 512), lambda i: (i, 0)),
        ],
        out_shape=[
            jax.ShapeDtypeStruct((128, 49, 512), F32),
            jax.ShapeDtypeStruct((128, 512), F32),
        ],
    )(y, scale, shift)


def _bn_inline(x2d, g, b):
    m = x2d.mean(axis=0)
    v = ((x2d - m) ** 2).mean(axis=0)
    scale = g * jax.lax.rsqrt(v + EPS)
    return x2d * scale + (b - m * scale)


def _temp_body(x0_ref, x1_ref, w1_ref, w2_ref, w3_ref,
               g1_ref, b1_ref, g2_ref, b2_ref, g3_ref, b3_ref,
               feat_ref, emb_ref):
    z2 = jnp.zeros((16, 2, 512), F32)
    accs = []
    for x_ref in (x0_ref, x1_ref):
        xp = jnp.concatenate([z2, x_ref[...], z2], axis=1)
        acc = jnp.zeros((2000, 512), F32)
        for j in range(3):
            xs = xp[:, 2 * j:2 * j + 125, :].reshape(2000, 512)
            acc = acc + jnp.dot(xs, w1_ref[j], preferred_element_type=F32)
        accs.append(acc)
    m = (accs[0].sum(axis=0) + accs[1].sum(axis=0)) * (1.0 / 4000.0)
    v = (((accs[0] - m) ** 2).sum(axis=0)
         + ((accs[1] - m) ** 2).sum(axis=0)) * (1.0 / 4000.0)
    scale1 = g1_ref[0] * jax.lax.rsqrt(v + EPS)
    shift1 = b1_ref[0] - m * scale1
    x2 = []
    for acc in accs:
        y1 = (acc * scale1 + shift1).reshape(16, 125, 512)
        y1p = y1[:, 0:124].reshape(16, 62, 2, 512).max(axis=2)
        x2.append(jnp.maximum(y1p, 0.0).reshape(992, 512))
    y2 = (jnp.dot(x2[0], w2_ref[0], preferred_element_type=F32)
          + jnp.dot(x2[1], w2_ref[1], preferred_element_type=F32))
    x3 = jnp.maximum(_bn_inline(y2, g2_ref[0], b2_ref[0]), 0.0)
    x3 = x3.reshape(16, 62, 512)
    zrow = jnp.zeros((16, 1, 512), F32)
    x3p = jnp.concatenate([zrow, x3, zrow], axis=1)
    acc3 = jnp.zeros((992, 512), F32)
    for j in range(3):
        xs = x3p[:, j:j + 62, :].reshape(992, 512)
        acc3 = acc3 + jnp.dot(xs, w3_ref[j], preferred_element_type=F32)
    y3 = _bn_inline(acc3, g3_ref[0], b3_ref[0]).reshape(16, 62, 512)
    h = jnp.maximum(y3.reshape(16, 31, 2, 512).max(axis=2), 0.0)
    feat_ref[...] = h
    emb_ref[...] = h.max(axis=1)


def _temp_call(x0, x1, w1, w2, w3, g1, b1, g2, b2, g3, b3):
    full = lambda shape: pl.BlockSpec(shape, lambda: tuple(0 for _ in shape))
    return pl.pallas_call(
        _temp_body,
        grid=(),
        in_specs=[
            full((16, 125, 512)), full((16, 125, 512)),
            full((3, 512, 512)), full((2, 512, 512)), full((3, 512, 512)),
            full((1, 512)), full((1, 512)), full((1, 512)),
            full((1, 512)), full((1, 512)), full((1, 512)),
        ],
        out_specs=[full((16, 31, 512)), full((16, 512))],
        out_shape=[
            jax.ShapeDtypeStruct((16, 31, 512), F32),
            jax.ShapeDtypeStruct((16, 512), F32),
        ],
    )(x0, x1, w1, w2, w3, g1, b1, g2, b2, g3, b3)


def _mix_indices():
    rng = np.random.default_rng(0)
    B, Fr = SEGMENTS, FRAMES
    randidx = np.zeros((B, Fr), dtype=np.int64)
    perm = np.zeros((B, Fr), dtype=np.int64)
    for seg in range(B):
        ri = rng.integers(0, B - 1, size=Fr)
        ri[ri >= seg] += 1
        randidx[seg] = ri
        perm[seg] = rng.permutation(Fr)
    return (randidx * Fr + perm).reshape(-1).astype(np.int32)


_MIX_IDX = _mix_indices()


def _discrim_body(ea_ref, ev_ref, evm_ref, w1a_ref, w1b_ref, b1_ref,
                  w2_ref, b2_ref, com_ref, dif_ref):
    A = jnp.dot(ea_ref[...], w1a_ref[...], preferred_element_type=F32)
    A_rep = jnp.broadcast_to(A[:, None, :], (16, 8, 128)).reshape(128, 128)
    Va = jnp.dot(ev_ref[...], w1b_ref[...], preferred_element_type=F32)
    Vm = jnp.dot(evm_ref[...], w1b_ref[...], preferred_element_type=F32)
    b1 = b1_ref[0]
    hc = jnp.maximum(A_rep + Va + b1, 0.0)
    com_ref[...] = jnp.dot(hc, w2_ref[...], preferred_element_type=F32) + b2_ref[0]
    hd = jnp.maximum(A_rep + Vm + b1, 0.0)
    dif_ref[...] = jnp.dot(hd, w2_ref[...], preferred_element_type=F32) + b2_ref[0]


def _discrim_call(embed_a, embed_v, mixed_v, w1a, w1b, b1, w2, b2):
    full = lambda shape: pl.BlockSpec(shape, lambda: tuple(0 for _ in shape))
    return pl.pallas_call(
        _discrim_body,
        grid=(),
        in_specs=[
            full((16, 512)), full((128, 512)), full((128, 512)),
            full((512, 128)), full((512, 128)), full((1, 128)),
            full((128, 2)), full((1, 2)),
        ],
        out_specs=[full((128, 2)), full((128, 2))],
        out_shape=[
            jax.ShapeDtypeStruct((128, 2), F32),
            jax.ShapeDtypeStruct((128, 2), F32),
        ],
    )(embed_a, embed_v, mixed_v, w1a, w1b, b1, w2, b2)


def kernel(audio, visual, params):
    B, Fr = SEGMENTS, FRAMES

    a4 = audio[:, :500, :].reshape(2000, 4, 64)
    mel_wp = params['mel_w'].reshape(64, 512, 2).transpose(0, 2, 1).reshape(64, 1024)
    mel_bp = params['mel_b'].reshape(512, 2).transpose(1, 0).reshape(1, 1024)
    xa0, xa1, pred_a = _mel_call(
        a4, mel_wp, mel_bp, params['cls_a_w'],
        params['cls_a_b'].reshape(1, -1))

    v6 = visual.reshape(-1, 3, 7, 32, 7, 32)
    patches = jnp.transpose(v6, (0, 2, 4, 1, 3, 5)).reshape(-1, 49, 3072)
    w9 = jnp.transpose(params['sconv'], (2, 3, 1, 0)).reshape(9, 512, 512)
    y_raw, cam49, pred_v3, ssum, ssq = _vis_call(
        patches, params['patch_w'], params['patch_b'].reshape(1, -1),
        params['cls_v_w'], params['cls_v_b'].reshape(1, -1), w9)
    pred_v = pred_v3.reshape(B * Fr, 15)
    cam_v = cam49.reshape(B * Fr, 15, 7, 7)

    n_sp = float(B * Fr * 49)
    mean = ssum.sum(axis=(0, 1)) / n_sp
    var = ssq.sum(axis=(0, 1)) / n_sp - mean * mean
    scale = params['sbn_g'] * jax.lax.rsqrt(var + EPS)
    shift = params['sbn_b'] - mean * scale
    fvh49, embed_v = _spabn_call(y_raw, scale.reshape(1, -1),
                                 shift.reshape(1, -1))
    feat_v_h = jnp.transpose(fvh49.reshape(B * Fr, 7, 7, 512), (0, 3, 1, 2))

    w1 = jnp.transpose(params['tconv1'], (2, 3, 1, 0)).reshape(3, 512, 512)
    w2 = jnp.transpose(params['tconv2'], (2, 3, 1, 0)).reshape(2, 512, 512)
    w3 = jnp.transpose(params['tconv3'], (2, 3, 1, 0)).reshape(3, 512, 512)
    r = lambda p: params[p].reshape(1, -1)
    feat_a_hb, embed_a = _temp_call(
        xa0, xa1, w1, w2, w3,
        r('tbn1_g'), r('tbn1_b'), r('tbn2_g'), r('tbn2_b'),
        r('tbn3_g'), r('tbn3_b'))
    feat_a_h = jnp.transpose(feat_a_hb, (0, 2, 1))[:, :, :, None]

    mixed_v = jnp.take(embed_v, jnp.asarray(_MIX_IDX), axis=0)
    common_f, differ_f = _discrim_call(
        embed_a, embed_v, mixed_v,
        params['d_w1'][:512], params['d_w1'][512:],
        params['d_b1'].reshape(1, -1), params['d_w2'],
        params['d_b2'].reshape(1, -1))
    common = common_f.reshape(B, Fr, 2)
    differ = differ_f.reshape(B, Fr, 2)

    return common, differ, feat_a_h, feat_v_h, pred_a, pred_v, cam_v

# --- scband reference (transcript-rebuilt; emitter-appended) ---
"""Pipeline reference for scband-framework-31379031065122 (READ-ONLY COPY).

The authoritative reference and input builder live on the scoring server;
editing this copy changes nothing except your own understanding.
"""

import jax, jax.numpy as jnp
import numpy as np

FRAMES = 8
SEGMENTS = 16


def conv2d(x, w, stride=(1, 1), padding=((0, 0), (0, 0)), dilation=(1, 1)):
    return jax.lax.conv_general_dilated(x, w, window_strides=stride, padding=padding, rhs_dilation=dilation, dimension_numbers=('NCHW', 'OIHW', 'NCHW'))


def bn(x, g, b):
    m = x.mean((0, 2, 3), keepdims=True)
    v = x.var((0, 2, 3), keepdims=True)
    return (x - m) / jnp.sqrt(v + 1e-5) * g.reshape(1, -1, 1, 1) + b.reshape(1, -1, 1, 1)


def maxpool(x, win):
    return jax.lax.reduce_window(x, -jnp.inf, jax.lax.max, (1, 1, win[0], win[1]), (1, 1, win[0], win[1]), 'VALID')


def setup_inputs(seed: int = 0) -> dict:
    key = jax.random.key(seed)
    ks = jax.random.split(key, 16)
    def nrm(k, shape, s=0.02):
        return jax.random.normal(k, shape, dtype=jnp.float32) * s
    audio = jax.random.normal(ks[0], (SEGMENTS, 501, 64), dtype=jnp.float32)
    visual = jax.random.normal(ks[1], (SEGMENTS * FRAMES, 3, 224, 224), dtype=jnp.float32)
    params = {
        'mel_w': nrm(ks[2], (64, 1024)), 'mel_b': jnp.zeros((1024,), jnp.float32),
        'patch_w': nrm(ks[3], (3072, 512)), 'patch_b': jnp.zeros((512,), jnp.float32),
        'tconv1': nrm(ks[4], (512, 512, 3, 1)), 'tbn1_g': jnp.ones((512,), jnp.float32), 'tbn1_b': jnp.zeros((512,), jnp.float32),
        'tconv2': nrm(ks[5], (512, 512, 1, 2)), 'tbn2_g': jnp.ones((512,), jnp.float32), 'tbn2_b': jnp.zeros((512,), jnp.float32),
        'tconv3': nrm(ks[6], (512, 512, 3, 1)), 'tbn3_g': jnp.ones((512,), jnp.float32), 'tbn3_b': jnp.zeros((512,), jnp.float32),
        'sconv': nrm(ks[7], (512, 512, 3, 3)), 'sbn_g': jnp.ones((512,), jnp.float32), 'sbn_b': jnp.zeros((512,), jnp.float32),
        'd_w1': nrm(ks[8], (1024, 128)), 'd_b1': jnp.zeros((128,), jnp.float32),
        'd_w2': nrm(ks[9], (128, 2)), 'd_b2': jnp.zeros((2,), jnp.float32),
        'cls_v_w': nrm(ks[10], (512, 15)), 'cls_v_b': jnp.zeros((15,), jnp.float32),
        'cls_a_w': nrm(ks[11], (512, 15)), 'cls_a_b': jnp.zeros((15,), jnp.float32),
    }
    return {'audio': audio, 'visual': visual, 'params': params}


def _forward(audio, visual, params):
    B = SEGMENTS
    F = FRAMES
    # audio backbone stand-in (mobilecrnn_v2 'embed') -> feat_a [B,512,125,2]
    a = audio[:, :500, :]
    a = a @ params['mel_w'] + params['mel_b']
    a = a.reshape(B, 500, 512, 2)
    a = jnp.transpose(a, (0, 2, 1, 3))
    feat_a = a.reshape(B, 512, 125, 4, 2).mean(3)
    # visual backbone stand-in (resnet18 'bottom') -> feat_v [B*F,512,7,7]
    v = visual.reshape(-1, 3, 7, 32, 7, 32)
    v = jnp.transpose(v, (0, 2, 4, 1, 3, 5)).reshape(-1, 49, 3072)
    v = jax.nn.relu(v @ params['patch_w'] + params['patch_b'])
    feat_v = jnp.transpose(v, (0, 2, 1)).reshape(-1, 512, 7, 7)
    # 'cont' heads: class predictions and CAM
    cam_map = jnp.einsum('bchw,ck->bkhw', feat_v, params['cls_v_w']) + params['cls_v_b'].reshape(1, -1, 1, 1)
    pred_v = cam_map.mean((2, 3))
    cam_v = jax.nn.relu(cam_map)
    pred_a = feat_a.mean((2, 3)) @ params['cls_a_w'] + params['cls_a_b']
    # DiscrimHead.temp_conv
    x = conv2d(feat_a, params['tconv1'], padding=((2, 2), (0, 0)), dilation=(2, 1))
    x = bn(x, params['tbn1_g'], params['tbn1_b'])
    x = maxpool(x, (2, 1))
    x = jax.nn.relu(x)
    x = conv2d(x, params['tconv2'], stride=(1, 2))
    x = bn(x, params['tbn2_g'], params['tbn2_b'])
    x = jax.nn.relu(x)
    x = conv2d(x, params['tconv3'], padding=((1, 1), (0, 0)))
    x = bn(x, params['tbn3_g'], params['tbn3_b'])
    x = maxpool(x, (2, 1))
    feat_a_h = jax.nn.relu(x)
    # DiscrimHead.spa_conv (layer5 stand-in)
    y = conv2d(feat_v, params['sconv'], padding=((1, 1), (1, 1)))
    y = bn(y, params['sbn_g'], params['sbn_b'])
    feat_v_h = jax.nn.relu(y)
    # pooled embeddings
    embed_a = feat_a_h.max((2, 3))
    embed_a = jnp.repeat(embed_a[:, None, :], F, axis=1)
    embed_v = feat_v_h.max((2, 3)).reshape(B, F, 512)
    def discrim(z):
        h = jax.nn.relu(z @ params['d_w1'] + params['d_b1'])
        return h @ params['d_w2'] + params['d_b2']
    common = discrim(jnp.concatenate([embed_a, embed_v], -1))
    # mix=1, frames>1 branch: cross-segment shuffled negatives (fixed seed)
    rng = np.random.default_rng(0)
    randidx = np.zeros((B, F), dtype=np.int64)
    perm = np.zeros((B, F), dtype=np.int64)
    for seg in range(B):
        ri = rng.integers(0, B - 1, size=F)
        ri[ri >= seg] += 1
        randidx[seg] = ri
        perm[seg] = rng.permutation(F)
    mixed_v = embed_v[jnp.asarray(randidx), jnp.asarray(perm)]
    differ = discrim(jnp.concatenate([embed_a, mixed_v], -1))
    return common, differ, feat_a_h, feat_v_h, pred_a, pred_v, cam_v


def reference(audio, visual, params):
    return _forward(audio, visual, params)

if __name__ == "__main__":
    import jax
    _d = setup_inputs()
    print(jax.jit(kernel)(*tuple(_d.values())))

</pallas_src>

<mosaic_0001>
module attributes {stable_mosaic.version = 14 : i64} {
  func.func @_mel_body(%arg0: memref<2000x4x64xf32, #tpu.memory_space<vmem>>, %arg1: memref<64x1024xf32, #tpu.memory_space<vmem>>, %arg2: memref<1x1024xf32, #tpu.memory_space<vmem>>, %arg3: memref<512x15xf32, #tpu.memory_space<vmem>>, %arg4: memref<1x15xf32, #tpu.memory_space<vmem>>, %arg5: memref<16x125x512xf32, #tpu.memory_space<vmem>>, %arg6: memref<16x125x512xf32, #tpu.memory_space<vmem>>, %arg7: memref<16x15xf32, #tpu.memory_space<vmem>>) attributes {dimension_semantics = [], scalar_prefetch = 0 : i64, scratch_operands = 0 : i64, tpu.core_type = #tpu.core_type<tc>} {
    %get3A = arith.constant 0 : index
    %get3A_0 = arith.constant 0 : index
    %get3A_1 = arith.constant 0 : index
    %get3A_2 = vector.load %arg0[%get3A, %get3A_0, %get3A_1] : memref<2000x4x64xf32, #tpu.memory_space<vmem>>, vector<2000x4x64xf32>
    %slice3A = vector.extract_strided_slice %get3A_2 {offsets = [0, 0, 0], sizes = [2000, 1, 64], strides = [1, 1, 1]} : vector<2000x4x64xf32> to vector<2000x1x64xf32>
    %squeeze3A = vector.shape_cast %slice3A : vector<2000x1x64xf32> to vector<2000x64xf32>
    %get3A_3 = arith.constant 0 : index
    %get3A_4 = arith.constant 0 : index
    %get3A_5 = vector.load %arg1[%get3A_3, %get3A_4] : memref<64x1024xf32, #tpu.memory_space<vmem>>, vector<64x1024xf32>
    %dot_general3A = arith.constant dense<0.000000e+00> : vector<2000x1024xf32>
    %dot_general3A_6 = tpu.matmul %squeeze3A, %get3A_5, %dot_general3A {dimension_numbers = #tpu.dot_dimension_numbers<[1], [0], [0], [1], [0, 0, 1, 1], [], []>, transpose_lhs_hint = false} : vector<2000x64xf32>, vector<64x1024xf32>, vector<2000x1024xf32> -> vector<2000x1024xf32>
    %slice3A_7 = vector.extract_strided_slice %get3A_2 {offsets = [0, 1, 0], sizes = [2000, 1, 64], strides = [1, 1, 1]} : vector<2000x4x64xf32> to vector<2000x1x64xf32>
    %squeeze3A_8 = vector.shape_cast %slice3A_7 : vector<2000x1x64xf32> to vector<2000x64xf32>
    %get3A_9 = arith.constant 0 : index
    %get3A_10 = arith.constant 0 : index
    %get3A_11 = vector.load %arg1[%get3A_9, %get3A_10] : memref<64x1024xf32, #tpu.memory_space<vmem>>, vector<64x1024xf32>
    %dot_general3A_12 = arith.constant dense<0.000000e+00> : vector<2000x1024xf32>
    %dot_general3A_13 = tpu.matmul %squeeze3A_8, %get3A_11, %dot_general3A_12 {dimension_numbers = #tpu.dot_dimension_numbers<[1], [0], [0], [1], [0, 0, 1, 1], [], []>, transpose_lhs_hint = false} : vector<2000x64xf32>, vector<64x1024xf32>, vector<2000x1024xf32> -> vector<2000x1024xf32>
    %add3A = arith.addf %dot_general3A_6, %dot_general3A_13 : vector<2000x1024xf32>
    %slice3A_14 = vector.extract_strided_slice %get3A_2 {offsets = [0, 2, 0], sizes = [2000, 1, 64], strides = [1, 1, 1]} : vector<2000x4x64xf32> to vector<2000x1x64xf32>
    %squeeze3A_15 = vector.shape_cast %slice3A_14 : vector<2000x1x64xf32> to vector<2000x64xf32>
    %get3A_16 = arith.constant 0 : index
    %get3A_17 = arith.constant 0 : index
    %get3A_18 = vector.load %arg1[%get3A_16, %get3A_17] : memref<64x1024xf32, #tpu.memory_space<vmem>>, vector<64x1024xf32>
    %dot_general3A_19 = arith.constant dense<0.000000e+00> : vector<2000x1024xf32>
    %dot_general3A_20 = tpu.matmul %squeeze3A_15, %get3A_18, %dot_general3A_19 {dimension_numbers = #tpu.dot_dimension_numbers<[1], [0], [0], [1], [0, 0, 1, 1], [], []>, transpose_lhs_hint = false} : vector<2000x64xf32>, vector<64x1024xf32>, vector<2000x1024xf32> -> vector<2000x1024xf32>
    %add3A_21 = arith.addf %add3A, %dot_general3A_20 : vector<2000x1024xf32>
    %slice3A_22 = vector.extract_strided_slice %get3A_2 {offsets = [0, 3, 0], sizes = [2000, 1, 64], strides = [1, 1, 1]} : vector<2000x4x64xf32> to vector<2000x1x64xf32>
    %squeeze3A_23 = vector.shape_cast %slice3A_22 : vector<2000x1x64xf32> to vector<2000x64xf32>
    %get3A_24 = arith.constant 0 : index
    %get3A_25 = arith.constant 0 : index
    %get3A_26 = vector.load %arg1[%get3A_24, %get3A_25] : memref<64x1024xf32, #tpu.memory_space<vmem>>, vector<64x1024xf32>
    %dot_general3A_27 = arith.constant dense<0.000000e+00> : vector<2000x1024xf32>
    %dot_general3A_28 = tpu.matmul %squeeze3A_23, %get3A_26, %dot_general3A_27 {dimension_numbers = #tpu.dot_dimension_numbers<[1], [0], [0], [1], [0, 0, 1, 1], [], []>, transpose_lhs_hint = false} : vector<2000x64xf32>, vector<64x1024xf32>, vector<2000x1024xf32> -> vector<2000x1024xf32>
    %add3A_29 = arith.addf %add3A_21, %dot_general3A_28 : vector<2000x1024xf32>
    %mul3A = arith.constant 2.500000e-01 : f32
    %mul3A_30 = vector.broadcast %mul3A : f32 to vector<2000x1024xf32>
    %mul3A_31 = arith.mulf %add3A_29, %mul3A_30 : vector<2000x1024xf32>
    %get3A_32 = arith.constant 0 : index
    %get3A_33 = arith.constant 0 : index
    %get3A_34 = vector.load %arg2[%get3A_32, %get3A_33] : memref<1x1024xf32, #tpu.memory_space<vmem>>, vector<1x1024xf32>
    %get3A_35 = vector.shape_cast %get3A_34 : vector<1x1024xf32> to vector<1024xf32>
    %broadcast_in_dim3A = vector.shape_cast %get3A_35 : vector<1024xf32> to vector<1x1024xf32>
    %add3A_36 = vector.broadcast %broadcast_in_dim3A : vector<1x1024xf32> to vector<2000x1024xf32>
    %add3A_37 = arith.addf %mul3A_31, %add3A_36 : vector<2000x1024xf32>
    %slice3A_38 = vector.extract_strided_slice %add3A_37 {offsets = [0, 0], sizes = [2000, 512], strides = [1, 1]} : vector<2000x1024xf32> to vector<2000x512xf32>
    %reshape3A = vector.shape_cast %slice3A_38 : vector<2000x512xf32> to vector<16x125x512xf32>
    %swap3A = arith.constant 0 : index
    %swap3A_39 = arith.constant 0 : index
    %swap3A_40 = arith.constant 0 : index
    %swap3A_41 = vector.load %arg5[%swap3A, %swap3A_39, %swap3A_40] : memref<16x125x512xf32, #tpu.memory_space<vmem>>, vector<16x125x512xf32>
    tpu.vector_store %arg5[%swap3A, %swap3A_39, %swap3A_40], %reshape3A {strides = array<i32>} : memref<16x125x512xf32, #tpu.memory_space<vmem>>, vector<16x125x512xf32>,
    %slice3A_42 = vector.extract_strided_slice %add3A_37 {offsets = [0, 512], sizes = [2000, 512], strides = [1, 1]} : vector<2000x1024xf32> to vector<2000x512xf32>
    %reshape3A_43 = vector.shape_cast %slice3A_42 : vector<2000x512xf32> to vector<16x125x512xf32>
    %swap3A_44 = arith.constant 0 : index
    %swap3A_45 = arith.constant 0 : index
    %swap3A_46 = arith.constant 0 : index
    %swap3A_47 = vector.load %arg6[%swap3A_44, %swap3A_45, %swap3A_46] : memref<16x125x512xf32, #tpu.memory_space<vmem>>, vector<16x125x512xf32>
    tpu.vector_store %arg6[%swap3A_44, %swap3A_45, %swap3A_46], %reshape3A_43 {strides = array<i32>} : memref<16x125x512xf32, #tpu.memory_space<vmem>>, vector<16x125x512xf32>,
    %reshape3A_48 = vector.shape_cast %add3A_37 : vector<2000x1024xf32> to vector<16x125x1024xf32>
    %reduce_sum3A = arith.constant dense<0.000000e+00> : vector<16x1024xf32>
    %reduce_sum3A_49 = vector.multi_reduction <add>, %reshape3A_48, %reduce_sum3A [1] : vector<16x125x1024xf32> to vector<16x1024xf32>
    %div3A = arith.constant 1.250000e+02 : f32
    %div3A_50 = vector.broadcast %div3A : f32 to vector<16x1024xf32>
    %div3A_51 = arith.divf %reduce_sum3A_49, %div3A_50 : vector<16x1024xf32>
    %slice3A_52 = vector.extract_strided_slice %div3A_51 {offsets = [0, 0], sizes = [16, 512], strides = [1, 1]} : vector<16x1024xf32> to vector<16x512xf32>
    %slice3A_53 = vector.extract_strided_slice %div3A_51 {offsets = [0, 512], sizes = [16, 512], strides = [1, 1]} : vector<16x1024xf32> to vector<16x512xf32>
    %add3A_54 = arith.addf %slice3A_52, %slice3A_53 : vector<16x512xf32>
    %mul3A_55 = arith.constant 5.000000e-01 : f32
    %mul3A_56 = vector.broadcast %mul3A_55 : f32 to vector<16x512xf32>
    %mul3A_57 = arith.mulf %add3A_54, %mul3A_56 : vector<16x512xf32>
    %get3A_58 = arith.constant 0 : index
    %get3A_59 = arith.constant 0 : index
    %get3A_60 = vector.load %arg3[%get3A_58, %get3A_59] : memref<512x15xf32, #tpu.memory_space<vmem>>, vector<512x15xf32>
    %dot_general3A_61 = arith.constant dense<0.000000e+00> : vector<16x15xf32>
    %dot_general3A_62 = tpu.matmul %mul3A_57, %get3A_60, %dot_general3A_61 {dimension_numbers = #tpu.dot_dimension_numbers<[1], [0], [0], [1], [0, 0, 1, 1], [], []>, transpose_lhs_hint = false} : vector<16x512xf32>, vector<512x15xf32>, vector<16x15xf32> -> vector<16x15xf32>
    %get3A_63 = arith.constant 0 : index
    %get3A_64 = arith.constant 0 : index
    %get3A_65 = vector.load %arg4[%get3A_63, %get3A_64] : memref<1x15xf32, #tpu.memory_space<vmem>>, vector<1x15xf32>
    %get3A_66 = vector.shape_cast %get3A_65 : vector<1x15xf32> to vector<15xf32>
    %broadcast_in_dim3A_67 = vector.shape_cast %get3A_66 : vector<15xf32> to vector<1x15xf32>
    %add3A_68 = vector.broadcast %broadcast_in_dim3A_67 : vector<1x15xf32> to vector<16x15xf32>
    %add3A_69 = arith.addf %dot_general3A_62, %add3A_68 : vector<16x15xf32>
    %swap3A_70 = arith.constant 0 : index
    %swap3A_71 = arith.constant 0 : index
    %swap3A_72 = vector.load %arg7[%swap3A_70, %swap3A_71] : memref<16x15xf32, #tpu.memory_space<vmem>>, vector<16x15xf32>
    tpu.vector_store %arg7[%swap3A_70, %swap3A_71], %add3A_69 {strides = array<i32>} : memref<16x15xf32, #tpu.memory_space<vmem>>, vector<16x15xf32>,
    return
  }
}

module attributes {stable_mosaic.version = 14 : i64} {
  func.func @_temp_body(%arg0: memref<16x125x512xf32, #tpu.memory_space<vmem>>, %arg1: memref<16x125x512xf32, #tpu.memory_space<vmem>>, %arg2: memref<3x512x512xf32, #tpu.memory_space<vmem>>, %arg3: memref<2x512x512xf32, #tpu.memory_space<vmem>>, %arg4: memref<3x512x512xf32, #tpu.memory_space<vmem>>, %arg5: memref<1x512xf32, #tpu.memory_space<vmem>>, %arg6: memref<1x512xf32, #tpu.memory_space<vmem>>, %arg7: memref<1x512xf32, #tpu.memory_space<vmem>>, %arg8: memref<1x512xf32, #tpu.memory_space<vmem>>, %arg9: memref<1x512xf32, #tpu.memory_space<vmem>>, %arg10: memref<1x512xf32, #tpu.memory_space<vmem>>, %arg11: memref<16x31x512xf32, #tpu.memory_space<vmem>>, %arg12: memref<16x512xf32, #tpu.memory_space<vmem>>) attributes {dimension_semantics = [], scalar_prefetch = 0 : i64, scratch_operands = 0 : i64, tpu.core_type = #tpu.core_type<tc>} {
    %broadcast_in_dim3A = arith.constant 0.000000e+00 : f32
    %broadcast_in_dim3A_0 = vector.broadcast %broadcast_in_dim3A : f32 to vector<16x2x512xf32>
    %get3A = arith.constant 0 : index
    %get3A_1 = arith.constant 0 : index
    %get3A_2 = arith.constant 0 : index
    %get3A_3 = vector.load %arg0[%get3A, %get3A_1, %get3A_2] : memref<16x125x512xf32, #tpu.memory_space<vmem>>, vector<16x125x512xf32>
    %concatenate3A = tpu.concatenate %broadcast_in_dim3A_0, %get3A_3, %broadcast_in_dim3A_0 in 1 : vector<16x2x512xf32>, vector<16x125x512xf32>, vector<16x2x512xf32> -> vector<16x129x512xf32>
    %broadcast_in_dim3A_4 = arith.constant 0.000000e+00 : f32
    %broadcast_in_dim3A_5 = vector.broadcast %broadcast_in_dim3A_4 : f32 to vector<2000x512xf32>
    %slice3A = vector.extract_strided_slice %concatenate3A {offsets = [0, 0, 0], sizes = [16, 125, 512], strides = [1, 1, 1]} : vector<16x129x512xf32> to vector<16x125x512xf32>
    %reshape3A = vector.shape_cast %slice3A : vector<16x125x512xf32> to vector<2000x512xf32>
    %get3A_6 = arith.constant 0 : index
    %get3A_7 = arith.constant 0 : index
    %get3A_8 = arith.constant 0 : index
    %get3A_9 = vector.load %arg2[%get3A_6, %get3A_7, %get3A_8] : memref<3x512x512xf32, #tpu.memory_space<vmem>>, vector<1x512x512xf32>
    %get3A_10 = vector.shape_cast %get3A_9 : vector<1x512x512xf32> to vector<512x512xf32>
    %dot_general3A = arith.constant dense<0.000000e+00> : vector<2000x512xf32>
    %dot_general3A_11 = tpu.matmul %reshape3A, %get3A_10, %dot_general3A {dimension_numbers = #tpu.dot_dimension_numbers<[1], [0], [0], [1], [0, 0, 1, 1], [], []>, transpose_lhs_hint = false} : vector<2000x512xf32>, vector<512x512xf32>, vector<2000x512xf32> -> vector<2000x512xf32>
    %add3A = arith.addf %broadcast_in_dim3A_5, %dot_general3A_11 : vector<2000x512xf32>
    %slice3A_12 = vector.extract_strided_slice %concatenate3A {offsets = [0, 2, 0], sizes = [16, 125, 512], strides = [1, 1, 1]} : vector<16x129x512xf32> to vector<16x125x512xf32>
    %reshape3A_13 = vector.shape_cast %slice3A_12 : vector<16x125x512xf32> to vector<2000x512xf32>
    %get3A_14 = arith.constant 1 : index
    %get3A_15 = arith.constant 0 : index
    %get3A_16 = arith.constant 0 : index
    %get3A_17 = vector.load %arg2[%get3A_14, %get3A_15, %get3A_16] : memref<3x512x512xf32, #tpu.memory_space<vmem>>, vector<1x512x512xf32>
    %get3A_18 = vector.shape_cast %get3A_17 : vector<1x512x512xf32> to vector<512x512xf32>
    %dot_general3A_19 = arith.constant dense<0.000000e+00> : vector<2000x512xf32>
    %dot_general3A_20 = tpu.matmul %reshape3A_13, %get3A_18, %dot_general3A_19 {dimension_numbers = #tpu.dot_dimension_numbers<[1], [0], [0], [1], [0, 0, 1, 1], [], []>, transpose_lhs_hint = false} : vector<2000x512xf32>, vector<512x512xf32>, vector<2000x512xf32> -> vector<2000x512xf32>
    %add3A_21 = arith.addf %add3A, %dot_general3A_20 : vector<2000x512xf32>
    %slice3A_22 = vector.extract_strided_slice %concatenate3A {offsets = [0, 4, 0], sizes = [16, 125, 512], strides = [1, 1, 1]} : vector<16x129x512xf32> to vector<16x125x512xf32>
    %reshape3A_23 = vector.shape_cast %slice3A_22 : vector<16x125x512xf32> to vector<2000x512xf32>
    %get3A_24 = arith.constant 2 : index
    %get3A_25 = arith.constant 0 : index
    %get3A_26 = arith.constant 0 : index
    %get3A_27 = vector.load %arg2[%get3A_24, %get3A_25, %get3A_26] : memref<3x512x512xf32, #tpu.memory_space<vmem>>, vector<1x512x512xf32>
    %get3A_28 = vector.shape_cast %get3A_27 : vector<1x512x512xf32> to vector<512x512xf32>
    %dot_general3A_29 = arith.constant dense<0.000000e+00> : vector<2000x512xf32>
    %dot_general3A_30 = tpu.matmul %reshape3A_23, %get3A_28, %dot_general3A_29 {dimension_numbers = #tpu.dot_dimension_numbers<[1], [0], [0], [1], [0, 0, 1, 1], [], []>, transpose_lhs_hint = false} : vector<2000x512xf32>, vector<512x512xf32>, vector<2000x512xf32> -> vector<2000x512xf32>
    %add3A_31 = arith.addf %add3A_21, %dot_general3A_30 : vector<2000x512xf32>
    %get3A_32 = arith.constant 0 : index
    %get3A_33 = arith.constant 0 : index
    %get3A_34 = arith.constant 0 : index
    %get3A_35 = vector.load %arg1[%get3A_32, %get3A_33, %get3A_34] : memref<16x125x512xf32, #tpu.memory_space<vmem>>, vector<16x125x512xf32>
    %concatenate3A_36 = tpu.concatenate %broadcast_in_dim3A_0, %get3A_35, %broadcast_in_dim3A_0 in 1 : vector<16x2x512xf32>, vector<16x125x512xf32>, vector<16x2x512xf32> -> vector<16x129x512xf32>
    %broadcast_in_dim3A_37 = arith.constant 0.000000e+00 : f32
    %broadcast_in_dim3A_38 = vector.broadcast %broadcast_in_dim3A_37 : f32 to vector<2000x512xf32>
    %slice3A_39 = vector.extract_strided_slice %concatenate3A_36 {offsets = [0, 0, 0], sizes = [16, 125, 512], strides = [1, 1, 1]} : vector<16x129x512xf32> to vector<16x125x512xf32>
    %reshape3A_40 = vector.shape_cast %slice3A_39 : vector<16x125x512xf32> to vector<2000x512xf32>
    %get3A_41 = arith.constant 0 : index
    %get3A_42 = arith.constant 0 : index
    %get3A_43 = arith.constant 0 : index
    %get3A_44 = vector.load %arg2[%get3A_41, %get3A_42, %get3A_43] : memref<3x512x512xf32, #tpu.memory_space<vmem>>, vector<1x512x512xf32>
    %get3A_45 = vector.shape_cast %get3A_44 : vector<1x512x512xf32> to vector<512x512xf32>
    %dot_general3A_46 = arith.constant dense<0.000000e+00> : vector<2000x512xf32>
    %dot_general3A_47 = tpu.matmul %reshape3A_40, %get3A_45, %dot_general3A_46 {dimension_numbers = #tpu.dot_dimension_numbers<[1], [0], [0], [1], [0, 0, 1, 1], [], []>, transpose_lhs_hint = false} : vector<2000x512xf32>, vector<512x512xf32>, vector<2000x512xf32> -> vector<2000x512xf32>
    %add3A_48 = arith.addf %broadcast_in_dim3A_38, %dot_general3A_47 : vector<2000x512xf32>
    %slice3A_49 = vector.extract_strided_slice %concatenate3A_36 {offsets = [0, 2, 0], sizes = [16, 125, 512], strides = [1, 1, 1]} : vector<16x129x512xf32> to vector<16x125x512xf32>
    %reshape3A_50 = vector.shape_cast %slice3A_49 : vector<16x125x512xf32> to vector<2000x512xf32>
    %get3A_51 = arith.constant 1 : index
    %get3A_52 = arith.constant 0 : index
    %get3A_53 = arith.constant 0 : index
    %get3A_54 = vector.load %arg2[%get3A_51, %get3A_52, %get3A_53] : memref<3x512x512xf32, #tpu.memory_space<vmem>>, vector<1x512x512xf32>
    %get3A_55 = vector.shape_cast %get3A_54 : vector<1x512x512xf32> to vector<512x512xf32>
    %dot_general3A_56 = arith.constant dense<0.000000e+00> : vector<2000x512xf32>
    %dot_general3A_57 = tpu.matmul %reshape3A_50, %get3A_55, %dot_general3A_56 {dimension_numbers = #tpu.dot_dimension_numbers<[1], [0], [0], [1], [0, 0, 1, 1], [], []>, transpose_lhs_hint = false} : vector<2000x512xf32>, vector<512x512xf32>, vector<2000x512xf32> -> vector<2000x512xf32>
    %add3A_58 = arith.addf %add3A_48, %dot_general3A_57 : vector<2000x512xf32>
    %slice3A_59 = vector.extract_strided_slice %concatenate3A_36 {offsets = [0, 4, 0], sizes = [16, 125, 512], strides = [1, 1, 1]} : vector<16x129x512xf32> to vector<16x125x512xf32>
    %reshape3A_60 = vector.shape_cast %slice3A_59 : vector<16x125x512xf32> to vector<2000x512xf32>
    %get3A_61 = arith.constant 2 : index
    %get3A_62 = arith.constant 0 : index
    %get3A_63 = arith.constant 0 : index
    %get3A_64 = vector.load %arg2[%get3A_61, %get3A_62, %get3A_63] : memref<3x512x512xf32, #tpu.memory_space<vmem>>, vector<1x512x512xf32>
    %get3A_65 = vector.shape_cast %get3A_64 : vector<1x512x512xf32> to vector<512x512xf32>
    %dot_general3A_66 = arith.constant dense<0.000000e+00> : vector<2000x512xf32>
    %dot_general3A_67 = tpu.matmul %reshape3A_60, %get3A_65, %dot_general3A_66 {dimension_numbers = #tpu.dot_dimension_numbers<[1], [0], [0], [1], [0, 0, 1, 1], [], []>, transpose_lhs_hint = false} : vector<2000x512xf32>, vector<512x512xf32>, vector<2000x512xf32> -> vector<2000x512xf32>
    %add3A_68 = arith.addf %add3A_58, %dot_general3A_67 : vector<2000x512xf32>
    %reduce_sum3A = arith.constant dense<0.000000e+00> : vector<512xf32>
    %reduce_sum3A_69 = vector.multi_reduction <add>, %add3A_31, %reduce_sum3A [0] : vector<2000x512xf32> to vector<512xf32>
    %reduce_sum3A_70 = arith.constant dense<0.000000e+00> : vector<512xf32>
    %reduce_sum3A_71 = vector.multi_reduction <add>, %add3A_68, %reduce_sum3A_70 [0] : vector<2000x512xf32> to vector<512xf32>
    %add3A_72 = arith.addf %reduce_sum3A_69, %reduce_sum3A_71 : vector<512xf32>
    %mul3A = arith.constant 2.500000e-04 : f32
    %mul3A_73 = vector.broadcast %mul3A : f32 to vector<512xf32>
    %mul3A_74 = arith.mulf %add3A_72, %mul3A_73 : vector<512xf32>
    %broadcast_in_dim3A_75 = vector.shape_cast %mul3A_74 : vector<512xf32> to vector<1x512xf32>
    %sub3A = vector.broadcast %broadcast_in_dim3A_75 : vector<1x512xf32> to vector<2000x512xf32>
    %sub3A_76 = arith.subf %add3A_31, %sub3A : vector<2000x512xf32>
    %integer_pow3A = arith.mulf %sub3A_76, %sub3A_76 : vector<2000x512xf32>
    %reduce_sum3A_77 = arith.constant dense<0.000000e+00> : vector<512xf32>
    %reduce_sum3A_78 = vector.multi_reduction <add>, %integer_pow3A, %reduce_sum3A_77 [0] : vector<2000x512xf32> to vector<512xf32>
    %broadcast_in_dim3A_79 = vector.shape_cast %mul3A_74 : vector<512xf32> to vector<1x512xf32>
    %sub3A_80 = vector.broadcast %broadcast_in_dim3A_79 : vector<1x512xf32> to vector<2000x512xf32>
    %sub3A_81 = arith.subf %add3A_68, %sub3A_80 : vector<2000x512xf32>
    %integer_pow3A_82 = arith.mulf %sub3A_81, %sub3A_81 : vector<2000x512xf32>
    %reduce_sum3A_83 = arith.constant dense<0.000000e+00> : vector<512xf32>
    %reduce_sum3A_84 = vector.multi_reduction <add>, %integer_pow3A_82, %reduce_sum3A_83 [0] : vector<2000x512xf32> to vector<512xf32>
    %add3A_85 = arith.addf %reduce_sum3A_78, %reduce_sum3A_84 : vector<512xf32>
    %mul3A_86 = arith.constant 2.500000e-04 : f32
    %mul3A_87 = vector.broadcast %mul3A_86 : f32 to vector<512xf32>
    %mul3A_88 = arith.mulf %add3A_85, %mul3A_87 : vector<512xf32>
    %get3A_89 = arith.constant 0 : index
    %get3A_90 = arith.constant 0 : index
    %get3A_91 = vector.load %arg5[%get3A_89, %get3A_90] : memref<1x512xf32, #tpu.memory_space<vmem>>, vector<1x512xf32>
    %get3A_92 = vector.shape_cast %get3A_91 : vector<1x512xf32> to vector<512xf32>
    %add3A_93 = arith.constant 9.99999974E-6 : f32
    %add3A_94 = vector.broadcast %add3A_93 : f32 to vector<512xf32>
    %add3A_95 = arith.addf %mul3A_88, %add3A_94 : vector<512xf32>
    %rsqrt3A = math.rsqrt %add3A_95 : vector<512xf32>
    %mul3A_96 = arith.mulf %get3A_92, %rsqrt3A : vector<512xf32>
    %get3A_97 = arith.constant 0 : index
    %get3A_98 = arith.constant 0 : index
    %get3A_99 = vector.load %arg6[%get3A_97, %get3A_98] : memref<1x512xf32, #tpu.memory_space<vmem>>, vector<1x512xf32>
    %get3A_100 = vector.shape_cast %get3A_99 : vector<1x512xf32> to vector<512xf32>
    %mul3A_101 = arith.mulf %mul3A_74, %mul3A_96 : vector<512xf32>
    %sub3A_102 = arith.subf %get3A_100, %mul3A_101 : vector<512xf32>
    %broadcast_in_dim3A_103 = vector.shape_cast %mul3A_96 : vector<512xf32> to vector<1x512xf32>
    %mul3A_104 = vector.broadcast %broadcast_in_dim3A_103 : vector<1x512xf32> to vector<2000x512xf32>
    %mul3A_105 = arith.mulf %add3A_31, %mul3A_104 : vector<2000x512xf32>
    %broadcast_in_dim3A_106 = vector.shape_cast %sub3A_102 : vector<512xf32> to vector<1x512xf32>
    %add3A_107 = vector.broadcast %broadcast_in_dim3A_106 : vector<1x512xf32> to vector<2000x512xf32>
    %add3A_108 = arith.addf %mul3A_105, %add3A_107 : vector<2000x512xf32>
    %reshape3A_109 = vector.shape_cast %add3A_108 : vector<2000x512xf32> to vector<16x125x512xf32>
    %slice3A_110 = vector.extract_strided_slice %reshape3A_109 {offsets = [0, 0, 0], sizes = [16, 124, 512], strides = [1, 1, 1]} : vector<16x125x512xf32> to vector<16x124x512xf32>
    %reshape3A_111 = vector.shape_cast %slice3A_110 : vector<16x124x512xf32> to vector<16x62x2x512xf32>
    %reduce_max3A = arith.constant dense<0xFF800000> : vector<16x62x512xf32>
    %reduce_max3A_112 = vector.multi_reduction <maximumf>, %reshape3A_111, %reduce_max3A [2] : vector<16x62x2x512xf32> to vector<16x62x512xf32>
    %max3A = arith.constant 0.000000e+00 : f32
    %max3A_113 = vector.broadcast %max3A : f32 to vector<16x62x512xf32>
    %max3A_114 = arith.maximumf %reduce_max3A_112, %max3A_113 : vector<16x62x512xf32>
    %reshape3A_115 = vector.shape_cast %max3A_114 : vector<16x62x512xf32> to vector<992x512xf32>
    %broadcast_in_dim3A_116 = vector.shape_cast %mul3A_96 : vector<512xf32> to vector<1x512xf32>
    %mul3A_117 = vector.broadcast %broadcast_in_dim3A_116 : vector<1x512xf32> to vector<2000x512xf32>
    %mul3A_118 = arith.mulf %add3A_68, %mul3A_117 : vector<2000x512xf32>
    %broadcast_in_dim3A_119 = vector.shape_cast %sub3A_102 : vector<512xf32> to vector<1x512xf32>
    %add3A_120 = vector.broadcast %broadcast_in_dim3A_119 : vector<1x512xf32> to vector<2000x512xf32>
    %add3A_121 = arith.addf %mul3A_118, %add3A_120 : vector<2000x512xf32>
    %reshape3A_122 = vector.shape_cast %add3A_121 : vector<2000x512xf32> to vector<16x125x512xf32>
    %slice3A_123 = vector.extract_strided_slice %reshape3A_122 {offsets = [0, 0, 0], sizes = [16, 124, 512], strides = [1, 1, 1]} : vector<16x125x512xf32> to vector<16x124x512xf32>
    %reshape3A_124 = vector.shape_cast %slice3A_123 : vector<16x124x512xf32> to vector<16x62x2x512xf32>
    %reduce_max3A_125 = arith.constant dense<0xFF800000> : vector<16x62x512xf32>
    %reduce_max3A_126 = vector.multi_reduction <maximumf>, %reshape3A_124, %reduce_max3A_125 [2] : vector<16x62x2x512xf32> to vector<16x62x512xf32>
    %max3A_127 = arith.constant 0.000000e+00 : f32
    %max3A_128 = vector.broadcast %max3A_127 : f32 to vector<16x62x512xf32>
    %max3A_129 = arith.maximumf %reduce_max3A_126, %max3A_128 : vector<16x62x512xf32>
    %reshape3A_130 = vector.shape_cast %max3A_129 : vector<16x62x512xf32> to vector<992x512xf32>
    %get3A_131 = arith.constant 0 : index
    %get3A_132 = arith.constant 0 : index
    %get3A_133 = arith.constant 0 : index
    %get3A_134 = vector.load %arg3[%get3A_131, %get3A_132, %get3A_133] : memref<2x512x512xf32, #tpu.memory_space<vmem>>, vector<1x512x512xf32>
    %get3A_135 = vector.shape_cast %get3A_134 : vector<1x512x512xf32> to vector<512x512xf32>
    %dot_general3A_136 = arith.constant dense<0.000000e+00> : vector<992x512xf32>
    %dot_general3A_137 = tpu.matmul %reshape3A_115, %get3A_135, %dot_general3A_136 {dimension_numbers = #tpu.dot_dimension_numbers<[1], [0], [0], [1], [0, 0, 1, 1], [], []>, transpose_lhs_hint = false} : vector<992x512xf32>, vector<512x512xf32>, vector<992x512xf32> -> vector<992x512xf32>
    %get3A_138 = arith.constant 1 : index
    %get3A_139 = arith.constant 0 : index
    %get3A_140 = arith.constant 0 : index
    %get3A_141 = vector.load %arg3[%get3A_138, %get3A_139, %get3A_140] : memref<2x512x512xf32, #tpu.memory_space<vmem>>, vector<1x512x512xf32>
    %get3A_142 = vector.shape_cast %get3A_141 : vector<1x512x512xf32> to vector<512x512xf32>
    %dot_general3A_143 = arith.constant dense<0.000000e+00> : vector<992x512xf32>
    %dot_general3A_144 = tpu.matmul %reshape3A_130, %get3A_142, %dot_general3A_143 {dimension_numbers = #tpu.dot_dimension_numbers<[1], [0], [0], [1], [0, 0, 1, 1], [], []>, transpose_lhs_hint = false} : vector<992x512xf32>, vector<512x512xf32>, vector<992x512xf32> -> vector<992x512xf32>
    %add3A_145 = arith.addf %dot_general3A_137, %dot_general3A_144 : vector<992x512xf32>
    %get3A_146 = arith.constant 0 : index
    %get3A_147 = arith.constant 0 : index
    %get3A_148 = vector.load %arg7[%get3A_146, %get3A_147] : memref<1x512xf32, #tpu.memory_space<vmem>>, vector<1x512xf32>
    %get3A_149 = vector.shape_cast %get3A_148 : vector<1x512xf32> to vector<512xf32>
    %get3A_150 = arith.constant 0 : index
    %get3A_151 = arith.constant 0 : index
    %get3A_152 = vector.load %arg8[%get3A_150, %get3A_151] : memref<1x512xf32, #tpu.memory_space<vmem>>, vector<1x512xf32>
    %get3A_153 = vector.shape_cast %get3A_152 : vector<1x512xf32> to vector<512xf32>
    %reduce_sum3A_154 = arith.constant dense<0.000000e+00> : vector<512xf32>
    %reduce_sum3A_155 = vector.multi_reduction <add>, %add3A_145, %reduce_sum3A_154 [0] : vector<992x512xf32> to vector<512xf32>
    %div3A = arith.constant 9.920000e+02 : f32
    %div3A_156 = vector.broadcast %div3A : f32 to vector<512xf32>
    %div3A_157 = arith.divf %reduce_sum3A_155, %div3A_156 : vector<512xf32>
    %broadcast_in_dim3A_158 = vector.shape_cast %div3A_157 : vector<512xf32> to vector<1x512xf32>
    %sub3A_159 = vector.broadcast %broadcast_in_dim3A_158 : vector<1x512xf32> to vector<992x512xf32>
    %sub3A_160 = arith.subf %add3A_145, %sub3A_159 : vector<992x512xf32>
    %integer_pow3A_161 = arith.mulf %sub3A_160, %sub3A_160 : vector<992x512xf32>
    %reduce_sum3A_162 = arith.constant dense<0.000000e+00> : vector<512xf32>
    %reduce_sum3A_163 = vector.multi_reduction <add>, %integer_pow3A_161, %reduce_sum3A_162 [0] : vector<992x512xf32> to vector<512xf32>
    %div3A_164 = arith.constant 9.920000e+02 : f32
    %div3A_165 = vector.broadcast %div3A_164 : f32 to vector<512xf32>
    %div3A_166 = arith.divf %reduce_sum3A_163, %div3A_165 : vector<512xf32>
    %add3A_167 = arith.constant 9.99999974E-6 : f32
    %add3A_168 = vector.broadcast %add3A_167 : f32 to vector<512xf32>
    %add3A_169 = arith.addf %div3A_166, %add3A_168 : vector<512xf32>
    %rsqrt3A_170 = math.rsqrt %add3A_169 : vector<512xf32>
    %mul3A_171 = arith.mulf %get3A_149, %rsqrt3A_170 : vector<512xf32>
    %broadcast_in_dim3A_172 = vector.shape_cast %mul3A_171 : vector<512xf32> to vector<1x512xf32>
    %mul3A_173 = vector.broadcast %broadcast_in_dim3A_172 : vector<1x512xf32> to vector<992x512xf32>
    %mul3A_174 = arith.mulf %add3A_145, %mul3A_173 : vector<992x512xf32>
    %mul3A_175 = arith.mulf %div3A_157, %mul3A_171 : vector<512xf32>
    %sub3A_176 = arith.subf %get3A_153, %mul3A_175 : vector<512xf32>
    %broadcast_in_dim3A_177 = vector.shape_cast %sub3A_176 : vector<512xf32> to vector<1x512xf32>
    %add3A_178 = vector.broadcast %broadcast_in_dim3A_177 : vector<1x512xf32> to vector<992x512xf32>
    %add3A_179 = arith.addf %mul3A_174, %add3A_178 : vector<992x512xf32>
    %max3A_180 = arith.constant 0.000000e+00 : f32
    %max3A_181 = vector.broadcast %max3A_180 : f32 to vector<992x512xf32>
    %max3A_182 = arith.maximumf %add3A_179, %max3A_181 : vector<992x512xf32>
    %reshape3A_183 = vector.shape_cast %max3A_182 : vector<992x512xf32> to vector<16x62x512xf32>
    %broadcast_in_dim3A_184 = arith.constant 0.000000e+00 : f32
    %broadcast_in_dim3A_185 = vector.broadcast %broadcast_in_dim3A_184 : f32 to vector<16x1x512xf32>
    %concatenate3A_186 = tpu.concatenate %broadcast_in_dim3A_185, %reshape3A_183, %broadcast_in_dim3A_185 in 1 : vector<16x1x512xf32>, vector<16x62x512xf32>, vector<16x1x512xf32> -> vector<16x64x512xf32>
    %broadcast_in_dim3A_187 = arith.constant 0.000000e+00 : f32
    %broadcast_in_dim3A_188 = vector.broadcast %broadcast_in_dim3A_187 : f32 to vector<992x512xf32>
    %slice3A_189 = vector.extract_strided_slice %concatenate3A_186 {offsets = [0, 0, 0], sizes = [16, 62, 512], strides = [1, 1, 1]} : vector<16x64x512xf32> to vector<16x62x512xf32>
    %reshape3A_190 = vector.shape_cast %slice3A_189 : vector<16x62x512xf32> to vector<992x512xf32>
    %get3A_191 = arith.constant 0 : index
    %get3A_192 = arith.constant 0 : index
    %get3A_193 = arith.constant 0 : index
    %get3A_194 = vector.load %arg4[%get3A_191, %get3A_192, %get3A_193] : memref<3x512x512xf32, #tpu.memory_space<vmem>>, vector<1x512x512xf32>
    %get3A_195 = vector.shape_cast %get3A_194 : vector<1x512x512xf32> to vector<512x512xf32>
    %dot_general3A_196 = arith.constant dense<0.000000e+00> : vector<992x512xf32>
    %dot_general3A_197 = tpu.matmul %reshape3A_190, %get3A_195, %dot_general3A_196 {dimension_numbers = #tpu.dot_dimension_numbers<[1], [0], [0], [1], [0, 0, 1, 1], [], []>, transpose_lhs_hint = false} : vector<992x512xf32>, vector<512x512xf32>, vector<992x512xf32> -> vector<992x512xf32>
    %add3A_198 = arith.addf %broadcast_in_dim3A_188, %dot_general3A_197 : vector<992x512xf32>
    %slice3A_199 = vector.extract_strided_slice %concatenate3A_186 {offsets = [0, 1, 0], sizes = [16, 62, 512], strides = [1, 1, 1]} : vector<16x64x512xf32> to vector<16x62x512xf32>
    %reshape3A_200 = vector.shape_cast %slice3A_199 : vector<16x62x512xf32> to vector<992x512xf32>
    %get3A_201 = arith.constant 1 : index
    %get3A_202 = arith.constant 0 : index
    %get3A_203 = arith.constant 0 : index
    %get3A_204 = vector.load %arg4[%get3A_201, %get3A_202, %get3A_203] : memref<3x512x512xf32, #tpu.memory_space<vmem>>, vector<1x512x512xf32>
    %get3A_205 = vector.shape_cast %get3A_204 : vector<1x512x512xf32> to vector<512x512xf32>
    %dot_general3A_206 = arith.constant dense<0.000000e+00> : vector<992x512xf32>
    %dot_general3A_207 = tpu.matmul %reshape3A_200, %get3A_205, %dot_general3A_206 {dimension_numbers = #tpu.dot_dimension_numbers<[1], [0], [0], [1], [0, 0, 1, 1], [], []>, transpose_lhs_hint = false} : vector<992x512xf32>, vector<512x512xf32>, vector<992x512xf32> -> vector<992x512xf32>
    %add3A_208 = arith.addf %add3A_198, %dot_general3A_207 : vector<992x512xf32>
    %slice3A_209 = vector.extract_strided_slice %concatenate3A_186 {offsets = [0, 2, 0], sizes = [16, 62, 512], strides = [1, 1, 1]} : vector<16x64x512xf32> to vector<16x62x512xf32>
    %reshape3A_210 = vector.shape_cast %slice3A_209 : vector<16x62x512xf32> to vector<992x512xf32>
    %get3A_211 = arith.constant 2 : index
    %get3A_212 = arith.constant 0 : index
    %get3A_213 = arith.constant 0 : index
    %get3A_214 = vector.load %arg4[%get3A_211, %get3A_212, %get3A_213] : memref<3x512x512xf32, #tpu.memory_space<vmem>>, vector<1x512x512xf32>
    %get3A_215 = vector.shape_cast %get3A_214 : vector<1x512x512xf32> to vector<512x512xf32>
    %dot_general3A_216 = arith.constant dense<0.000000e+00> : vector<992x512xf32>
    %dot_general3A_217 = tpu.matmul %reshape3A_210, %get3A_215, %dot_general3A_216 {dimension_numbers = #tpu.dot_dimension_numbers<[1], [0], [0], [1], [0, 0, 1, 1], [], []>, transpose_lhs_hint = false} : vector<992x512xf32>, vector<512x512xf32>, vector<992x512xf32> -> vector<992x512xf32>
    %add3A_218 = arith.addf %add3A_208, %dot_general3A_217 : vector<992x512xf32>
    %get3A_219 = arith.constant 0 : index
    %get3A_220 = arith.constant 0 : index
    %get3A_221 = vector.load %arg9[%get3A_219, %get3A_220] : memref<1x512xf32, #tpu.memory_space<vmem>>, vector<1x512xf32>
    %get3A_222 = vector.shape_cast %get3A_221 : vector<1x512xf32> to vector<512xf32>
    %get3A_223 = arith.constant 0 : index
    %get3A_224 = arith.constant 0 : index
    %get3A_225 = vector.load %arg10[%get3A_223, %get3A_224] : memref<1x512xf32, #tpu.memory_space<vmem>>, vector<1x512xf32>
    %get3A_226 = vector.shape_cast %get3A_225 : vector<1x512xf32> to vector<512xf32>
    %reduce_sum3A_227 = arith.constant dense<0.000000e+00> : vector<512xf32>
    %reduce_sum3A_228 = vector.multi_reduction <add>, %add3A_218, %reduce_sum3A_227 [0] : vector<992x512xf32> to vector<512xf32>
    %div3A_229 = arith.constant 9.920000e+02 : f32
    %div3A_230 = vector.broadcast %div3A_229 : f32 to vector<512xf32>
    %div3A_231 = arith.divf %reduce_sum3A_228, %div3A_230 : vector<512xf32>
    %broadcast_in_dim3A_232 = vector.shape_cast %div3A_231 : vector<512xf32> to vector<1x512xf32>
    %sub3A_233 = vector.broadcast %broadcast_in_dim3A_232 : vector<1x512xf32> to vector<992x512xf32>
    %sub3A_234 = arith.subf %add3A_218, %sub3A_233 : vector<992x512xf32>
    %integer_pow3A_235 = arith.mulf %sub3A_234, %sub3A_234 : vector<992x512xf32>
    %reduce_sum3A_236 = arith.constant dense<0.000000e+00> : vector<512xf32>
    %reduce_sum3A_237 = vector.multi_reduction <add>, %integer_pow3A_235, %reduce_sum3A_236 [0] : vector<992x512xf32> to vector<512xf32>
    %div3A_238 = arith.constant 9.920000e+02 : f32
    %div3A_239 = vector.broadcast %div3A_238 : f32 to vector<512xf32>
    %div3A_240 = arith.divf %reduce_sum3A_237, %div3A_239 : vector<512xf32>
    %add3A_241 = arith.constant 9.99999974E-6 : f32
    %add3A_242 = vector.broadcast %add3A_241 : f32 to vector<512xf32>
    %add3A_243 = arith.addf %div3A_240, %add3A_242 : vector<512xf32>
    %rsqrt3A_244 = math.rsqrt %add3A_243 : vector<512xf32>
    %mul3A_245 = arith.mulf %get3A_222, %rsqrt3A_244 : vector<512xf32>
    %broadcast_in_dim3A_246 = vector.shape_cast %mul3A_245 : vector<512xf32> to vector<1x512xf32>
    %mul3A_247 = vector.broadcast %broadcast_in_dim3A_246 : vector<1x512xf32> to vector<992x512xf32>
    %mul3A_248 = arith.mulf %add3A_218, %mul3A_247 : vector<992x512xf32>
    %mul3A_249 = arith.mulf %div3A_231, %mul3A_245 : vector<512xf32>
    %sub3A_250 = arith.subf %get3A_226, %mul3A_249 : vector<512xf32>
    %broadcast_in_dim3A_251 = vector.shape_cast %sub3A_250 : vector<512xf32> to vector<1x512xf32>
    %add3A_252 = vector.broadcast %broadcast_in_dim3A_251 : vector<1x512xf32> to vector<992x512xf32>
    %add3A_253 = arith.addf %mul3A_248, %add3A_252 : vector<992x512xf32>
    %reshape3A_254 = vector.shape_cast %add3A_253 : vector<992x512xf32> to vector<16x62x512xf32>
    %reshape3A_255 = vector.shape_cast %reshape3A_254 : vector<16x62x512xf32> to vector<16x31x2x512xf32>
    %reduce_max3A_256 = arith.constant dense<0xFF800000> : vector<16x31x512xf32>
    %reduce_max3A_257 = vector.multi_reduction <maximumf>, %reshape3A_255, %reduce_max3A_256 [2] : vector<16x31x2x512xf32> to vector<16x31x512xf32>
    %max3A_258 = arith.constant 0.000000e+00 : f32
    %max3A_259 = vector.broadcast %max3A_258 : f32 to vector<16x31x512xf32>
    %max3A_260 = arith.maximumf %reduce_max3A_257, %max3A_259 : vector<16x31x512xf32>
    %swap3A = arith.constant 0 : index
    %swap3A_261 = arith.constant 0 : index
    %swap3A_262 = arith.constant 0 : index
    %swap3A_263 = vector.load %arg11[%swap3A, %swap3A_261, %swap3A_262] : memref<16x31x512xf32, #tpu.memory_space<vmem>>, vector<16x31x512xf32>
    tpu.vector_store %arg11[%swap3A, %swap3A_261, %swap3A_262], %max3A_260 {strides = array<i32>} : memref<16x31x512xf32, #tpu.memory_space<vmem>>, vector<16x31x512xf32>,
    %reduce_max3A_264 = arith.constant dense<0xFF800000> : vector<16x512xf32>
    %reduce_max3A_265 = vector.multi_reduction <maximumf>, %max3A_260, %reduce_max3A_264 [1] : vector<16x31x512xf32> to vector<16x512xf32>
    %swap3A_266 = arith.constant 0 : index
    %swap3A_267 = arith.constant 0 : index
    %swap3A_268 = vector.load %arg12[%swap3A_266, %swap3A_267] : memref<16x512xf32, #tpu.memory_space<vmem>>, vector<16x512xf32>
    tpu.vector_store %arg12[%swap3A_266, %swap3A_267], %reduce_max3A_265 {strides = array<i32>} : memref<16x512xf32, #tpu.memory_space<vmem>>, vector<16x512xf32>,
    return
  }
}

module attributes {stable_mosaic.version = 14 : i64} {
  func.func @_vis_body(%arg0: i32, %arg1: memref<8x49x3072xf32, #tpu.memory_space<vmem>>, %arg2: memref<3072x512xf32, #tpu.memory_space<vmem>>, %arg3: memref<1x512xf32, #tpu.memory_space<vmem>>, %arg4: memref<512x15xf32, #tpu.memory_space<vmem>>, %arg5: memref<1x15xf32, #tpu.memory_space<vmem>>, %arg6: memref<9x512x512xf32, #tpu.memory_space<vmem>>, %arg7: memref<8x49x512xf32, #tpu.memory_space<vmem>>, %arg8: memref<8x15x49xf32, #tpu.memory_space<vmem>>, %arg9: memref<1x8x15xf32, #tpu.memory_space<vmem>>, %arg10: memref<1x1x512xf32, #tpu.memory_space<vmem>>, %arg11: memref<1x1x512xf32, #tpu.memory_space<vmem>>) attributes {dimension_semantics = [#tpu.dimension_semantics<arbitrary>], iteration_bounds = array<i64: 16>, scalar_prefetch = 0 : i64, scratch_operands = 0 : i64, tpu.core_type = #tpu.core_type<tc>, window_params = [{transform_indices = @transform_0, window_bounds = array<i64: 8, 49, 3072>}, {pipeline_mode = #tpu.pipeline_mode<synchronous>, transform_indices = @transform_1, window_bounds = array<i64: 3072, 512>}, {pipeline_mode = #tpu.pipeline_mode<synchronous>, transform_indices = @transform_2, window_bounds = array<i64: 1, 512>}, {pipeline_mode = #tpu.pipeline_mode<synchronous>, transform_indices = @transform_3, window_bounds = array<i64: 512, 15>}, {pipeline_mode = #tpu.pipeline_mode<synchronous>, transform_indices = @transform_4, window_bounds = array<i64: 1, 15>}, {pipeline_mode = #tpu.pipeline_mode<synchronous>, transform_indices = @transform_5, window_bounds = array<i64: 9, 512, 512>}, {transform_indices = @transform_6, window_bounds = array<i64: 8, 49, 512>}, {transform_indices = @transform_7, window_bounds = array<i64: 8, 15, 49>}, {transform_indices = @transform_8, window_bounds = array<i64: 1, 8, 15>}, {transform_indices = @transform_9, window_bounds = array<i64: 1, 1, 512>}, {transform_indices = @transform_10, window_bounds = array<i64: 1, 1, 512>}]} {
    %get3A = arith.constant 0 : index
    %get3A_0 = arith.constant 0 : index
    %get3A_1 = arith.constant 0 : index
    %get3A_2 = vector.load %arg1[%get3A, %get3A_0, %get3A_1] : memref<8x49x3072xf32, #tpu.memory_space<vmem>>, vector<8x49x3072xf32>
    %get3A_3 = arith.constant 0 : index
    %get3A_4 = arith.constant 0 : index
    %get3A_5 = vector.load %arg2[%get3A_3, %get3A_4] : memref<3072x512xf32, #tpu.memory_space<vmem>>, vector<3072x512xf32>
    %dot_general3A = arith.constant dense<0.000000e+00> : vector<8x49x512xf32>
    %dot_general3A_6 = tpu.matmul %get3A_2, %get3A_5, %dot_general3A {dimension_numbers = #tpu.dot_dimension_numbers<[2], [0], [0, 1], [1], [0, 0, 0, 1, 1, 1], [], []>, transpose_lhs_hint = false} : vector<8x49x3072xf32>, vector<3072x512xf32>, vector<8x49x512xf32> -> vector<8x49x512xf32>
    %get3A_7 = arith.constant 0 : index
    %get3A_8 = arith.constant 0 : index
    %get3A_9 = vector.load %arg3[%get3A_7, %get3A_8] : memref<1x512xf32, #tpu.memory_space<vmem>>, vector<1x512xf32>
    %get3A_10 = vector.shape_cast %get3A_9 : vector<1x512xf32> to vector<512xf32>
    %broadcast_in_dim3A = vector.shape_cast %get3A_10 : vector<512xf32> to vector<1x1x512xf32>
    %add3A = vector.broadcast %broadcast_in_dim3A : vector<1x1x512xf32> to vector<8x49x512xf32>
    %add3A_11 = arith.addf %dot_general3A_6, %add3A : vector<8x49x512xf32>
    %max3A = arith.constant 0.000000e+00 : f32
    %max3A_12 = vector.broadcast %max3A : f32 to vector<8x49x512xf32>
    %max3A_13 = arith.maximumf %add3A_11, %max3A_12 : vector<8x49x512xf32>
    %get3A_14 = arith.constant 0 : index
    %get3A_15 = arith.constant 0 : index
    %get3A_16 = vector.load %arg4[%get3A_14, %get3A_15] : memref<512x15xf32, #tpu.memory_space<vmem>>, vector<512x15xf32>
    %dot_general3A_17 = arith.constant dense<0.000000e+00> : vector<8x49x15xf32>
    %dot_general3A_18 = tpu.matmul %max3A_13, %get3A_16, %dot_general3A_17 {dimension_numbers = #tpu.dot_dimension_numbers<[2], [0], [0, 1], [1], [0, 0, 0, 1, 1, 1], [], []>, transpose_lhs_hint = false} : vector<8x49x512xf32>, vector<512x15xf32>, vector<8x49x15xf32> -> vector<8x49x15xf32>
    %get3A_19 = arith.constant 0 : index
    %get3A_20 = arith.constant 0 : index
    %get3A_21 = vector.load %arg5[%get3A_19, %get3A_20] : memref<1x15xf32, #tpu.memory_space<vmem>>, vector<1x15xf32>
    %get3A_22 = vector.shape_cast %get3A_21 : vector<1x15xf32> to vector<15xf32>
    %broadcast_in_dim3A_23 = vector.shape_cast %get3A_22 : vector<15xf32> to vector<1x1x15xf32>
    %add3A_24 = vector.broadcast %broadcast_in_dim3A_23 : vector<1x1x15xf32> to vector<8x49x15xf32>
    %add3A_25 = arith.addf %dot_general3A_18, %add3A_24 : vector<8x49x15xf32>
    %reduce_sum3A = arith.constant dense<0.000000e+00> : vector<8x15xf32>
    %reduce_sum3A_26 = vector.multi_reduction <add>, %add3A_25, %reduce_sum3A [1] : vector<8x49x15xf32> to vector<8x15xf32>
    %div3A = arith.constant 4.900000e+01 : f32
    %div3A_27 = vector.broadcast %div3A : f32 to vector<8x15xf32>
    %div3A_28 = arith.divf %reduce_sum3A_26, %div3A_27 : vector<8x15xf32>
    %swap3A = arith.constant 0 : index
    %swap3A_29 = arith.constant 0 : index
    %swap3A_30 = arith.constant 0 : index
    %swap3A_31 = vector.load %arg9[%swap3A, %swap3A_29, %swap3A_30] : memref<1x8x15xf32, #tpu.memory_space<vmem>>, vector<1x8x15xf32>
    %swap3A_32 = vector.shape_cast %swap3A_31 : vector<1x8x15xf32> to vector<8x15xf32>
    %swap3A_33 = vector.shape_cast %div3A_28 : vector<8x15xf32> to vector<1x8x15xf32>
    tpu.vector_store %arg9[%swap3A, %swap3A_29, %swap3A_30], %swap3A_33 {strides = array<i32>} : memref<1x8x15xf32, #tpu.memory_space<vmem>>, vector<1x8x15xf32>,
    %max3A_34 = arith.constant 0.000000e+00 : f32
    %max3A_35 = vector.broadcast %max3A_34 : f32 to vector<8x49x15xf32>
    %max3A_36 = arith.maximumf %add3A_25, %max3A_35 : vector<8x49x15xf32>
    %transpose3A = tpu.transpose %max3A_36, [0, 2, 1] : vector<8x49x15xf32> -> vector<8x15x49xf32>
    %swap3A_37 = arith.constant 0 : index
    %swap3A_38 = arith.constant 0 : index
    %swap3A_39 = arith.constant 0 : index
    %swap3A_40 = vector.load %arg8[%swap3A_37, %swap3A_38, %swap3A_39] : memref<8x15x49xf32, #tpu.memory_space<vmem>>, vector<8x15x49xf32>
    tpu.vector_store %arg8[%swap3A_37, %swap3A_38, %swap3A_39], %transpose3A {strides = array<i32>} : memref<8x15x49xf32, #tpu.memory_space<vmem>>, vector<8x15x49xf32>,
    %reshape3A = vector.shape_cast %max3A_13 : vector<8x49x512xf32> to vector<8x7x7x512xf32>
    %broadcast_in_dim3A_41 = arith.constant 0.000000e+00 : f32
    %broadcast_in_dim3A_42 = vector.broadcast %broadcast_in_dim3A_41 : f32 to vector<8x7x1x512xf32>
    %concatenate3A = tpu.concatenate %broadcast_in_dim3A_42, %reshape3A, %broadcast_in_dim3A_42 in 2 : vector<8x7x1x512xf32>, vector<8x7x7x512xf32>, vector<8x7x1x512xf32> -> vector<8x7x9x512xf32>
    %broadcast_in_dim3A_43 = arith.constant 0.000000e+00 : f32
    %broadcast_in_dim3A_44 = vector.broadcast %broadcast_in_dim3A_43 : f32 to vector<8x1x9x512xf32>
    %concatenate3A_45 = tpu.concatenate %broadcast_in_dim3A_44, %concatenate3A, %broadcast_in_dim3A_44 in 1 : vector<8x1x9x512xf32>, vector<8x7x9x512xf32>, vector<8x1x9x512xf32> -> vector<8x9x9x512xf32>
    %broadcast_in_dim3A_46 = arith.constant 0.000000e+00 : f32
    %broadcast_in_dim3A_47 = vector.broadcast %broadcast_in_dim3A_46 : f32 to vector<392x512xf32>
    %slice3A = vector.extract_strided_slice %concatenate3A_45 {offsets = [0, 0, 0, 0], sizes = [8, 7, 7, 512], strides = [1, 1, 1, 1]} : vector<8x9x9x512xf32> to vector<8x7x7x512xf32>
    %reshape3A_48 = vector.shape_cast %slice3A : vector<8x7x7x512xf32> to vector<392x512xf32>
    %get3A_49 = arith.constant 0 : index
    %get3A_50 = arith.constant 0 : index
    %get3A_51 = arith.constant 0 : index
    %get3A_52 = vector.load %arg6[%get3A_49, %get3A_50, %get3A_51] : memref<9x512x512xf32, #tpu.memory_space<vmem>>, vector<1x512x512xf32>
    %get3A_53 = vector.shape_cast %get3A_52 : vector<1x512x512xf32> to vector<512x512xf32>
    %dot_general3A_54 = arith.constant dense<0.000000e+00> : vector<392x512xf32>
    %dot_general3A_55 = tpu.matmul %reshape3A_48, %get3A_53, %dot_general3A_54 {dimension_numbers = #tpu.dot_dimension_numbers<[1], [0], [0], [1], [0, 0, 1, 1], [], []>, transpose_lhs_hint = false} : vector<392x512xf32>, vector<512x512xf32>, vector<392x512xf32> -> vector<392x512xf32>
    %add3A_56 = arith.addf %broadcast_in_dim3A_47, %dot_general3A_55 : vector<392x512xf32>
    %slice3A_57 = vector.extract_strided_slice %concatenate3A_45 {offsets = [0, 0, 1, 0], sizes = [8, 7, 7, 512], strides = [1, 1, 1, 1]} : vector<8x9x9x512xf32> to vector<8x7x7x512xf32>
    %reshape3A_58 = vector.shape_cast %slice3A_57 : vector<8x7x7x512xf32> to vector<392x512xf32>
    %get3A_59 = arith.constant 1 : index
    %get3A_60 = arith.constant 0 : index
    %get3A_61 = arith.constant 0 : index
    %get3A_62 = vector.load %arg6[%get3A_59, %get3A_60, %get3A_61] : memref<9x512x512xf32, #tpu.memory_space<vmem>>, vector<1x512x512xf32>
    %get3A_63 = vector.shape_cast %get3A_62 : vector<1x512x512xf32> to vector<512x512xf32>
    %dot_general3A_64 = arith.constant dense<0.000000e+00> : vector<392x512xf32>
    %dot_general3A_65 = tpu.matmul %reshape3A_58, %get3A_63, %dot_general3A_64 {dimension_numbers = #tpu.dot_dimension_numbers<[1], [0], [0], [1], [0, 0, 1, 1], [], []>, transpose_lhs_hint = false} : vector<392x512xf32>, vector<512x512xf32>, vector<392x512xf32> -> vector<392x512xf32>
    %add3A_66 = arith.addf %add3A_56, %dot_general3A_65 : vector<392x512xf32>
    %slice3A_67 = vector.extract_strided_slice %concatenate3A_45 {offsets = [0, 0, 2, 0], sizes = [8, 7, 7, 512], strides = [1, 1, 1, 1]} : vector<8x9x9x512xf32> to vector<8x7x7x512xf32>
    %reshape3A_68 = vector.shape_cast %slice3A_67 : vector<8x7x7x512xf32> to vector<392x512xf32>
    %get3A_69 = arith.constant 2 : index
    %get3A_70 = arith.constant 0 : index
    %get3A_71 = arith.constant 0 : index
    %get3A_72 = vector.load %arg6[%get3A_69, %get3A_70, %get3A_71] : memref<9x512x512xf32, #tpu.memory_space<vmem>>, vector<1x512x512xf32>
    %get3A_73 = vector.shape_cast %get3A_72 : vector<1x512x512xf32> to vector<512x512xf32>
    %dot_general3A_74 = arith.constant dense<0.000000e+00> : vector<392x512xf32>
    %dot_general3A_75 = tpu.matmul %reshape3A_68, %get3A_73, %dot_general3A_74 {dimension_numbers = #tpu.dot_dimension_numbers<[1], [0], [0], [1], [0, 0, 1, 1], [], []>, transpose_lhs_hint = false} : vector<392x512xf32>, vector<512x512xf32>, vector<392x512xf32> -> vector<392x512xf32>
    %add3A_76 = arith.addf %add3A_66, %dot_general3A_75 : vector<392x512xf32>
    %slice3A_77 = vector.extract_strided_slice %concatenate3A_45 {offsets = [0, 1, 0, 0], sizes = [8, 7, 7, 512], strides = [1, 1, 1, 1]} : vector<8x9x9x512xf32> to vector<8x7x7x512xf32>
    %reshape3A_78 = vector.shape_cast %slice3A_77 : vector<8x7x7x512xf32> to vector<392x512xf32>
    %get3A_79 = arith.constant 3 : index
    %get3A_80 = arith.constant 0 : index
    %get3A_81 = arith.constant 0 : index
    %get3A_82 = vector.load %arg6[%get3A_79, %get3A_80, %get3A_81] : memref<9x512x512xf32, #tpu.memory_space<vmem>>, vector<1x512x512xf32>
    %get3A_83 = vector.shape_cast %get3A_82 : vector<1x512x512xf32> to vector<512x512xf32>
    %dot_general3A_84 = arith.constant dense<0.000000e+00> : vector<392x512xf32>
    %dot_general3A_85 = tpu.matmul %reshape3A_78, %get3A_83, %dot_general3A_84 {dimension_numbers = #tpu.dot_dimension_numbers<[1], [0], [0], [1], [0, 0, 1, 1], [], []>, transpose_lhs_hint = false} : vector<392x512xf32>, vector<512x512xf32>, vector<392x512xf32> -> vector<392x512xf32>
    %add3A_86 = arith.addf %add3A_76, %dot_general3A_85 : vector<392x512xf32>
    %slice3A_87 = vector.extract_strided_slice %concatenate3A_45 {offsets = [0, 1, 1, 0], sizes = [8, 7, 7, 512], strides = [1, 1, 1, 1]} : vector<8x9x9x512xf32> to vector<8x7x7x512xf32>
    %reshape3A_88 = vector.shape_cast %slice3A_87 : vector<8x7x7x512xf32> to vector<392x512xf32>
    %get3A_89 = arith.constant 4 : index
    %get3A_90 = arith.constant 0 : index
    %get3A_91 = arith.constant 0 : index
    %get3A_92 = vector.load %arg6[%get3A_89, %get3A_90, %get3A_91] : memref<9x512x512xf32, #tpu.memory_space<vmem>>, vector<1x512x512xf32>
    %get3A_93 = vector.shape_cast %get3A_92 : vector<1x512x512xf32> to vector<512x512xf32>
    %dot_general3A_94 = arith.constant dense<0.000000e+00> : vector<392x512xf32>
    %dot_general3A_95 = tpu.matmul %reshape3A_88, %get3A_93, %dot_general3A_94 {dimension_numbers = #tpu.dot_dimension_numbers<[1], [0], [0], [1], [0, 0, 1, 1], [], []>, transpose_lhs_hint = false} : vector<392x512xf32>, vector<512x512xf32>, vector<392x512xf32> -> vector<392x512xf32>
    %add3A_96 = arith.addf %add3A_86, %dot_general3A_95 : vector<392x512xf32>
    %slice3A_97 = vector.extract_strided_slice %concatenate3A_45 {offsets = [0, 1, 2, 0], sizes = [8, 7, 7, 512], strides = [1, 1, 1, 1]} : vector<8x9x9x512xf32> to vector<8x7x7x512xf32>
    %reshape3A_98 = vector.shape_cast %slice3A_97 : vector<8x7x7x512xf32> to vector<392x512xf32>
    %get3A_99 = arith.constant 5 : index
    %get3A_100 = arith.constant 0 : index
    %get3A_101 = arith.constant 0 : index
    %get3A_102 = vector.load %arg6[%get3A_99, %get3A_100, %get3A_101] : memref<9x512x512xf32, #tpu.memory_space<vmem>>, vector<1x512x512xf32>
    %get3A_103 = vector.shape_cast %get3A_102 : vector<1x512x512xf32> to vector<512x512xf32>
    %dot_general3A_104 = arith.constant dense<0.000000e+00> : vector<392x512xf32>
    %dot_general3A_105 = tpu.matmul %reshape3A_98, %get3A_103, %dot_general3A_104 {dimension_numbers = #tpu.dot_dimension_numbers<[1], [0], [0], [1], [0, 0, 1, 1], [], []>, transpose_lhs_hint = false} : vector<392x512xf32>, vector<512x512xf32>, vector<392x512xf32> -> vector<392x512xf32>
    %add3A_106 = arith.addf %add3A_96, %dot_general3A_105 : vector<392x512xf32>
    %slice3A_107 = vector.extract_strided_slice %concatenate3A_45 {offsets = [0, 2, 0, 0], sizes = [8, 7, 7, 512], strides = [1, 1, 1, 1]} : vector<8x9x9x512xf32> to vector<8x7x7x512xf32>
    %reshape3A_108 = vector.shape_cast %slice3A_107 : vector<8x7x7x512xf32> to vector<392x512xf32>
    %get3A_109 = arith.constant 6 : index
    %get3A_110 = arith.constant 0 : index
    %get3A_111 = arith.constant 0 : index
    %get3A_112 = vector.load %arg6[%get3A_109, %get3A_110, %get3A_111] : memref<9x512x512xf32, #tpu.memory_space<vmem>>, vector<1x512x512xf32>
    %get3A_113 = vector.shape_cast %get3A_112 : vector<1x512x512xf32> to vector<512x512xf32>
    %dot_general3A_114 = arith.constant dense<0.000000e+00> : vector<392x512xf32>
    %dot_general3A_115 = tpu.matmul %reshape3A_108, %get3A_113, %dot_general3A_114 {dimension_numbers = #tpu.dot_dimension_numbers<[1], [0], [0], [1], [0, 0, 1, 1], [], []>, transpose_lhs_hint = false} : vector<392x512xf32>, vector<512x512xf32>, vector<392x512xf32> -> vector<392x512xf32>
    %add3A_116 = arith.addf %add3A_106, %dot_general3A_115 : vector<392x512xf32>
    %slice3A_117 = vector.extract_strided_slice %concatenate3A_45 {offsets = [0, 2, 1, 0], sizes = [8, 7, 7, 512], strides = [1, 1, 1, 1]} : vector<8x9x9x512xf32> to vector<8x7x7x512xf32>
    %reshape3A_118 = vector.shape_cast %slice3A_117 : vector<8x7x7x512xf32> to vector<392x512xf32>
    %get3A_119 = arith.constant 7 : index
    %get3A_120 = arith.constant 0 : index
    %get3A_121 = arith.constant 0 : index
    %get3A_122 = vector.load %arg6[%get3A_119, %get3A_120, %get3A_121] : memref<9x512x512xf32, #tpu.memory_space<vmem>>, vector<1x512x512xf32>
    %get3A_123 = vector.shape_cast %get3A_122 : vector<1x512x512xf32> to vector<512x512xf32>
    %dot_general3A_124 = arith.constant dense<0.000000e+00> : vector<392x512xf32>
    %dot_general3A_125 = tpu.matmul %reshape3A_118, %get3A_123, %dot_general3A_124 {dimension_numbers = #tpu.dot_dimension_numbers<[1], [0], [0], [1], [0, 0, 1, 1], [], []>, transpose_lhs_hint = false} : vector<392x512xf32>, vector<512x512xf32>, vector<392x512xf32> -> vector<392x512xf32>
    %add3A_126 = arith.addf %add3A_116, %dot_general3A_125 : vector<392x512xf32>
    %slice3A_127 = vector.extract_strided_slice %concatenate3A_45 {offsets = [0, 2, 2, 0], sizes = [8, 7, 7, 512], strides = [1, 1, 1, 1]} : vector<8x9x9x512xf32> to vector<8x7x7x512xf32>
    %reshape3A_128 = vector.shape_cast %slice3A_127 : vector<8x7x7x512xf32> to vector<392x512xf32>
    %get3A_129 = arith.constant 8 : index
    %get3A_130 = arith.constant 0 : index
    %get3A_131 = arith.constant 0 : index
    %get3A_132 = vector.load %arg6[%get3A_129, %get3A_130, %get3A_131] : memref<9x512x512xf32, #tpu.memory_space<vmem>>, vector<1x512x512xf32>
    %get3A_133 = vector.shape_cast %get3A_132 : vector<1x512x512xf32> to vector<512x512xf32>
    %dot_general3A_134 = arith.constant dense<0.000000e+00> : vector<392x512xf32>
    %dot_general3A_135 = tpu.matmul %reshape3A_128, %get3A_133, %dot_general3A_134 {dimension_numbers = #tpu.dot_dimension_numbers<[1], [0], [0], [1], [0, 0, 1, 1], [], []>, transpose_lhs_hint = false} : vector<392x512xf32>, vector<512x512xf32>, vector<392x512xf32> -> vector<392x512xf32>
    %add3A_136 = arith.addf %add3A_126, %dot_general3A_135 : vector<392x512xf32>
    %reshape3A_137 = vector.shape_cast %add3A_136 : vector<392x512xf32> to vector<8x49x512xf32>
    %swap3A_138 = arith.constant 0 : index
    %swap3A_139 = arith.constant 0 : index
    %swap3A_140 = arith.constant 0 : index
    %swap3A_141 = vector.load %arg7[%swap3A_138, %swap3A_139, %swap3A_140] : memref<8x49x512xf32, #tpu.memory_space<vmem>>, vector<8x49x512xf32>
    tpu.vector_store %arg7[%swap3A_138, %swap3A_139, %swap3A_140], %reshape3A_137 {strides = array<i32>} : memref<8x49x512xf32, #tpu.memory_space<vmem>>, vector<8x49x512xf32>,
    %reduce_sum3A_142 = arith.constant dense<0.000000e+00> : vector<512xf32>
    %reduce_sum3A_143 = vector.multi_reduction <add>, %add3A_136, %reduce_sum3A_142 [0] : vector<392x512xf32> to vector<512xf32>
    %swap3A_144 = arith.constant 0 : index
    %swap3A_145 = arith.constant 0 : index
    %swap3A_146 = arith.constant 0 : index
    %swap3A_147 = vector.load %arg10[%swap3A_144, %swap3A_145, %swap3A_146] : memref<1x1x512xf32, #tpu.memory_space<vmem>>, vector<1x1x512xf32>
    %swap3A_148 = vector.shape_cast %swap3A_147 : vector<1x1x512xf32> to vector<512xf32>
    %swap3A_149 = vector.shape_cast %reduce_sum3A_143 : vector<512xf32> to vector<1x1x512xf32>
    tpu.vector_store %arg10[%swap3A_144, %swap3A_145, %swap3A_146], %swap3A_149 {strides = array<i32>} : memref<1x1x512xf32, #tpu.memory_space<vmem>>, vector<1x1x512xf32>,
    %mul3A = arith.mulf %add3A_136, %add3A_136 : vector<392x512xf32>
    %reduce_sum3A_150 = arith.constant dense<0.000000e+00> : vector<512xf32>
    %reduce_sum3A_151 = vector.multi_reduction <add>, %mul3A, %reduce_sum3A_150 [0] : vector<392x512xf32> to vector<512xf32>
    %swap3A_152 = arith.constant 0 : index
    %swap3A_153 = arith.constant 0 : index
    %swap3A_154 = arith.constant 0 : index
    %swap3A_155 = vector.load %arg11[%swap3A_152, %swap3A_153, %swap3A_154] : memref<1x1x512xf32, #tpu.memory_space<vmem>>, vector<1x1x512xf32>
    %swap3A_156 = vector.shape_cast %swap3A_155 : vector<1x1x512xf32> to vector<512xf32>
    %swap3A_157 = vector.shape_cast %reduce_sum3A_151 : vector<512xf32> to vector<1x1x512xf32>
    tpu.vector_store %arg11[%swap3A_152, %swap3A_153, %swap3A_154], %swap3A_157 {strides = array<i32>} : memref<1x1x512xf32, #tpu.memory_space<vmem>>, vector<1x1x512xf32>,
    return
  }
  func.func @transform_0(%arg0: i32) -> (i32, i32, i32) {
    %c0_i32 = arith.constant 0 : i32
    %c0_i32_0 = arith.constant 0 : i32
    %c0_i32_1 = arith.constant 0 : i32
    return %arg0, %c0_i32, %c0_i32_0 : i32, i32, i32
  }
  func.func @transform_1(%arg0: i32) -> (i32, i32) {
    %c0_i32 = arith.constant 0 : i32
    %c0_i32_0 = arith.constant 0 : i32
    %c0_i32_1 = arith.constant 0 : i32
    return %c0_i32, %c0_i32_0 : i32, i32
  }
  func.func @transform_2(%arg0: i32) -> (i32, i32) {
    %c0_i32 = arith.constant 0 : i32
    %c0_i32_0 = arith.constant 0 : i32
    %c0_i32_1 = arith.constant 0 : i32
    return %c0_i32, %c0_i32_0 : i32, i32
  }
  func.func @transform_3(%arg0: i32) -> (i32, i32) {
    %c0_i32 = arith.constant 0 : i32
    %c0_i32_0 = arith.constant 0 : i32
    %c0_i32_1 = arith.constant 0 : i32
    return %c0_i32, %c0_i32_0 : i32, i32
  }
  func.func @transform_4(%arg0: i32) -> (i32, i32) {
    %c0_i32 = arith.constant 0 : i32
    %c0_i32_0 = arith.constant 0 : i32
    %c0_i32_1 = arith.constant 0 : i32
    return %c0_i32, %c0_i32_0 : i32, i32
  }
  func.func @transform_5(%arg0: i32) -> (i32, i32, i32) {
    %c0_i32 = arith.constant 0 : i32
    %c0_i32_0 = arith.constant 0 : i32
    %c0_i32_1 = arith.constant 0 : i32
    %c0_i32_2 = arith.constant 0 : i32
    return %c0_i32, %c0_i32_0, %c0_i32_1 : i32, i32, i32
  }
  func.func @transform_6(%arg0: i32) -> (i32, i32, i32) {
    %c0_i32 = arith.constant 0 : i32
    %c0_i32_0 = arith.constant 0 : i32
    %c0_i32_1 = arith.constant 0 : i32
    return %arg0, %c0_i32, %c0_i32_0 : i32, i32, i32
  }
  func.func @transform_7(%arg0: i32) -> (i32, i32, i32) {
    %c0_i32 = arith.constant 0 : i32
    %c0_i32_0 = arith.constant 0 : i32
    %c0_i32_1 = arith.constant 0 : i32
    return %arg0, %c0_i32, %c0_i32_0 : i32, i32, i32
  }
  func.func @transform_8(%arg0: i32) -> (i32, i32, i32) {
    %c0_i32 = arith.constant 0 : i32
    %c0_i32_0 = arith.constant 0 : i32
    %c0_i32_1 = arith.constant 0 : i32
    return %arg0, %c0_i32, %c0_i32_0 : i32, i32, i32
  }
  func.func @transform_9(%arg0: i32) -> (i32, i32, i32) {
    %c0_i32 = arith.constant 0 : i32
    %c0_i32_0 = arith.constant 0 : i32
    %c0_i32_1 = arith.constant 0 : i32
    return %arg0, %c0_i32, %c0_i32_0 : i32, i32, i32
  }
  func.func @transform_10(%arg0: i32) -> (i32, i32, i32) {
    %c0_i32 = arith.constant 0 : i32
    %c0_i32_0 = arith.constant 0 : i32
    %c0_i32_1 = arith.constant 0 : i32
    return %arg0, %c0_i32, %c0_i32_0 : i32, i32, i32
  }
}

module attributes {stable_mosaic.version = 14 : i64} {
  func.func @_spabn_body(%arg0: i32, %arg1: memref<8x49x512xf32, #tpu.memory_space<vmem>>, %arg2: memref<1x512xf32, #tpu.memory_space<vmem>>, %arg3: memref<1x512xf32, #tpu.memory_space<vmem>>, %arg4: memref<8x49x512xf32, #tpu.memory_space<vmem>>, %arg5: memref<8x512xf32, #tpu.memory_space<vmem>>) attributes {dimension_semantics = [#tpu.dimension_semantics<arbitrary>], iteration_bounds = array<i64: 16>, scalar_prefetch = 0 : i64, scratch_operands = 0 : i64, tpu.core_type = #tpu.core_type<tc>, window_params = [{transform_indices = @transform_0, window_bounds = array<i64: 8, 49, 512>}, {pipeline_mode = #tpu.pipeline_mode<synchronous>, transform_indices = @transform_1, window_bounds = array<i64: 1, 512>}, {pipeline_mode = #tpu.pipeline_mode<synchronous>, transform_indices = @transform_2, window_bounds = array<i64: 1, 512>}, {transform_indices = @transform_3, window_bounds = array<i64: 8, 49, 512>}, {transform_indices = @transform_4, window_bounds = array<i64: 8, 512>}]} {
    %get3A = arith.constant 0 : index
    %get3A_0 = arith.constant 0 : index
    %get3A_1 = arith.constant 0 : index
    %get3A_2 = vector.load %arg1[%get3A, %get3A_0, %get3A_1] : memref<8x49x512xf32, #tpu.memory_space<vmem>>, vector<8x49x512xf32>
    %get3A_3 = arith.constant 0 : index
    %get3A_4 = arith.constant 0 : index
    %get3A_5 = vector.load %arg2[%get3A_3, %get3A_4] : memref<1x512xf32, #tpu.memory_space<vmem>>, vector<1x512xf32>
    %get3A_6 = vector.shape_cast %get3A_5 : vector<1x512xf32> to vector<512xf32>
    %broadcast_in_dim3A = vector.shape_cast %get3A_6 : vector<512xf32> to vector<1x1x512xf32>
    %mul3A = vector.broadcast %broadcast_in_dim3A : vector<1x1x512xf32> to vector<8x49x512xf32>
    %mul3A_7 = arith.mulf %get3A_2, %mul3A : vector<8x49x512xf32>
    %get3A_8 = arith.constant 0 : index
    %get3A_9 = arith.constant 0 : index
    %get3A_10 = vector.load %arg3[%get3A_8, %get3A_9] : memref<1x512xf32, #tpu.memory_space<vmem>>, vector<1x512xf32>
    %get3A_11 = vector.shape_cast %get3A_10 : vector<1x512xf32> to vector<512xf32>
    %broadcast_in_dim3A_12 = vector.shape_cast %get3A_11 : vector<512xf32> to vector<1x1x512xf32>
    %add3A = vector.broadcast %broadcast_in_dim3A_12 : vector<1x1x512xf32> to vector<8x49x512xf32>
    %add3A_13 = arith.addf %mul3A_7, %add3A : vector<8x49x512xf32>
    %max3A = arith.constant 0.000000e+00 : f32
    %max3A_14 = vector.broadcast %max3A : f32 to vector<8x49x512xf32>
    %max3A_15 = arith.maximumf %add3A_13, %max3A_14 : vector<8x49x512xf32>
    %reduce_max3A = arith.constant dense<0xFF800000> : vector<8x512xf32>
    %reduce_max3A_16 = vector.multi_reduction <maximumf>, %max3A_15, %reduce_max3A [1] : vector<8x49x512xf32> to vector<8x512xf32>
    %swap3A = arith.constant 0 : index
    %swap3A_17 = arith.constant 0 : index
    %swap3A_18 = vector.load %arg5[%swap3A, %swap3A_17] : memref<8x512xf32, #tpu.memory_space<vmem>>, vector<8x512xf32>
    tpu.vector_store %arg5[%swap3A, %swap3A_17], %reduce_max3A_16 {strides = array<i32>} : memref<8x512xf32, #tpu.memory_space<vmem>>, vector<8x512xf32>,
    %swap3A_19 = arith.constant 0 : index
    %swap3A_20 = arith.constant 0 : index
    %swap3A_21 = arith.constant 0 : index
    %swap3A_22 = vector.load %arg4[%swap3A_19, %swap3A_20, %swap3A_21] : memref<8x49x512xf32, #tpu.memory_space<vmem>>, vector<8x49x512xf32>
    tpu.vector_store %arg4[%swap3A_19, %swap3A_20, %swap3A_21], %max3A_15 {strides = array<i32>} : memref<8x49x512xf32, #tpu.memory_space<vmem>>, vector<8x49x512xf32>,
    return
  }
  func.func @transform_0(%arg0: i32) -> (i32, i32, i32) {
    %c0_i32 = arith.constant 0 : i32
    %c0_i32_0 = arith.constant 0 : i32
    %c0_i32_1 = arith.constant 0 : i32
    return %arg0, %c0_i32, %c0_i32_0 : i32, i32, i32
  }
  func.func @transform_1(%arg0: i32) -> (i32, i32) {
    %c0_i32 = arith.constant 0 : i32
    %c0_i32_0 = arith.constant 0 : i32
    %c0_i32_1 = arith.constant 0 : i32
    return %c0_i32, %c0_i32_0 : i32, i32
  }
  func.func @transform_2(%arg0: i32) -> (i32, i32) {
    %c0_i32 = arith.constant 0 : i32
    %c0_i32_0 = arith.constant 0 : i32
    %c0_i32_1 = arith.constant 0 : i32
    return %c0_i32, %c0_i32_0 : i32, i32
  }
  func.func @transform_3(%arg0: i32) -> (i32, i32, i32) {
    %c0_i32 = arith.constant 0 : i32
    %c0_i32_0 = arith.constant 0 : i32
    %c0_i32_1 = arith.constant 0 : i32
    return %arg0, %c0_i32, %c0_i32_0 : i32, i32, i32
  }
  func.func @transform_4(%arg0: i32) -> (i32, i32) {
    %c0_i32 = arith.constant 0 : i32
    %c0_i32_0 = arith.constant 0 : i32
    return %arg0, %c0_i32 : i32, i32
  }
}

module attributes {stable_mosaic.version = 14 : i64} {
  func.func @_discrim_body(%arg0: memref<16x512xf32, #tpu.memory_space<vmem>>, %arg1: memref<128x512xf32, #tpu.memory_space<vmem>>, %arg2: memref<128x512xf32, #tpu.memory_space<vmem>>, %arg3: memref<512x128xf32, #tpu.memory_space<vmem>>, %arg4: memref<512x128xf32, #tpu.memory_space<vmem>>, %arg5: memref<1x128xf32, #tpu.memory_space<vmem>>, %arg6: memref<128x2xf32, #tpu.memory_space<vmem>>, %arg7: memref<1x2xf32, #tpu.memory_space<vmem>>, %arg8: memref<128x2xf32, #tpu.memory_space<vmem>>, %arg9: memref<128x2xf32, #tpu.memory_space<vmem>>) attributes {dimension_semantics = [], scalar_prefetch = 0 : i64, scratch_operands = 0 : i64, tpu.core_type = #tpu.core_type<tc>} {
    %get3A = arith.constant 0 : index
    %get3A_0 = arith.constant 0 : index
    %get3A_1 = vector.load %arg0[%get3A, %get3A_0] : memref<16x512xf32, #tpu.memory_space<vmem>>, vector<16x512xf32>
    %get3A_2 = arith.constant 0 : index
    %get3A_3 = arith.constant 0 : index
    %get3A_4 = vector.load %arg3[%get3A_2, %get3A_3] : memref<512x128xf32, #tpu.memory_space<vmem>>, vector<512x128xf32>
    %dot_general3A = arith.constant dense<0.000000e+00> : vector<16x128xf32>
    %dot_general3A_5 = tpu.matmul %get3A_1, %get3A_4, %dot_general3A {dimension_numbers = #tpu.dot_dimension_numbers<[1], [0], [0], [1], [0, 0, 1, 1], [], []>, transpose_lhs_hint = false} : vector<16x512xf32>, vector<512x128xf32>, vector<16x128xf32> -> vector<16x128xf32>
    %broadcast_in_dim3A = vector.shape_cast %dot_general3A_5 : vector<16x128xf32> to vector<16x1x128xf32>
    %broadcast_in_dim3A_6 = vector.shape_cast %broadcast_in_dim3A : vector<16x1x128xf32> to vector<16x1x128xf32>
    %broadcast_in_dim3A_7 = vector.broadcast %broadcast_in_dim3A_6 : vector<16x1x128xf32> to vector<16x8x128xf32>
    %reshape3A = vector.shape_cast %broadcast_in_dim3A_7 : vector<16x8x128xf32> to vector<128x128xf32>
    %get3A_8 = arith.constant 0 : index
    %get3A_9 = arith.constant 0 : index
    %get3A_10 = vector.load %arg1[%get3A_8, %get3A_9] : memref<128x512xf32, #tpu.memory_space<vmem>>, vector<128x512xf32>
    %get3A_11 = arith.constant 0 : index
    %get3A_12 = arith.constant 0 : index
    %get3A_13 = vector.load %arg4[%get3A_11, %get3A_12] : memref<512x128xf32, #tpu.memory_space<vmem>>, vector<512x128xf32>
    %dot_general3A_14 = arith.constant dense<0.000000e+00> : vector<128x128xf32>
    %dot_general3A_15 = tpu.matmul %get3A_10, %get3A_13, %dot_general3A_14 {dimension_numbers = #tpu.dot_dimension_numbers<[1], [0], [0], [1], [0, 0, 1, 1], [], []>, transpose_lhs_hint = false} : vector<128x512xf32>, vector<512x128xf32>, vector<128x128xf32> -> vector<128x128xf32>
    %get3A_16 = arith.constant 0 : index
    %get3A_17 = arith.constant 0 : index
    %get3A_18 = vector.load %arg2[%get3A_16, %get3A_17] : memref<128x512xf32, #tpu.memory_space<vmem>>, vector<128x512xf32>
    %get3A_19 = arith.constant 0 : index
    %get3A_20 = arith.constant 0 : index
    %get3A_21 = vector.load %arg4[%get3A_19, %get3A_20] : memref<512x128xf32, #tpu.memory_space<vmem>>, vector<512x128xf32>
    %dot_general3A_22 = arith.constant dense<0.000000e+00> : vector<128x128xf32>
    %dot_general3A_23 = tpu.matmul %get3A_18, %get3A_21, %dot_general3A_22 {dimension_numbers = #tpu.dot_dimension_numbers<[1], [0], [0], [1], [0, 0, 1, 1], [], []>, transpose_lhs_hint = false} : vector<128x512xf32>, vector<512x128xf32>, vector<128x128xf32> -> vector<128x128xf32>
    %get3A_24 = arith.constant 0 : index
    %get3A_25 = arith.constant 0 : index
    %get3A_26 = vector.load %arg5[%get3A_24, %get3A_25] : memref<1x128xf32, #tpu.memory_space<vmem>>, vector<1x128xf32>
    %get3A_27 = vector.shape_cast %get3A_26 : vector<1x128xf32> to vector<128xf32>
    %add3A = arith.addf %reshape3A, %dot_general3A_15 : vector<128x128xf32>
    %broadcast_in_dim3A_28 = vector.shape_cast %get3A_27 : vector<128xf32> to vector<1x128xf32>
    %add3A_29 = vector.broadcast %broadcast_in_dim3A_28 : vector<1x128xf32> to vector<128x128xf32>
    %add3A_30 = arith.addf %add3A, %add3A_29 : vector<128x128xf32>
    %max3A = arith.constant 0.000000e+00 : f32
    %max3A_31 = vector.broadcast %max3A : f32 to vector<128x128xf32>
    %max3A_32 = arith.maximumf %add3A_30, %max3A_31 : vector<128x128xf32>
    %get3A_33 = arith.constant 0 : index
    %get3A_34 = arith.constant 0 : index
    %get3A_35 = vector.load %arg6[%get3A_33, %get3A_34] : memref<128x2xf32, #tpu.memory_space<vmem>>, vector<128x2xf32>
    %dot_general3A_36 = arith.constant dense<0.000000e+00> : vector<128x2xf32>
    %dot_general3A_37 = tpu.matmul %max3A_32, %get3A_35, %dot_general3A_36 {dimension_numbers = #tpu.dot_dimension_numbers<[1], [0], [0], [1], [0, 0, 1, 1], [], []>, transpose_lhs_hint = false} : vector<128x128xf32>, vector<128x2xf32>, vector<128x2xf32> -> vector<128x2xf32>
    %get3A_38 = arith.constant 0 : index
    %get3A_39 = arith.constant 0 : index
    %get3A_40 = vector.load %arg7[%get3A_38, %get3A_39] : memref<1x2xf32, #tpu.memory_space<vmem>>, vector<1x2xf32>
    %get3A_41 = vector.shape_cast %get3A_40 : vector<1x2xf32> to vector<2xf32>
    %broadcast_in_dim3A_42 = vector.shape_cast %get3A_41 : vector<2xf32> to vector<1x2xf32>
    %add3A_43 = vector.broadcast %broadcast_in_dim3A_42 : vector<1x2xf32> to vector<128x2xf32>
    %add3A_44 = arith.addf %dot_general3A_37, %add3A_43 : vector<128x2xf32>
    %swap3A = arith.constant 0 : index
    %swap3A_45 = arith.constant 0 : index
    %swap3A_46 = vector.load %arg8[%swap3A, %swap3A_45] : memref<128x2xf32, #tpu.memory_space<vmem>>, vector<128x2xf32>
    tpu.vector_store %arg8[%swap3A, %swap3A_45], %add3A_44 {strides = array<i32>} : memref<128x2xf32, #tpu.memory_space<vmem>>, vector<128x2xf32>,
    %add3A_47 = arith.addf %reshape3A, %dot_general3A_23 : vector<128x128xf32>
    %broadcast_in_dim3A_48 = vector.shape_cast %get3A_27 : vector<128xf32> to vector<1x128xf32>
    %add3A_49 = vector.broadcast %broadcast_in_dim3A_48 : vector<1x128xf32> to vector<128x128xf32>
    %add3A_50 = arith.addf %add3A_47, %add3A_49 : vector<128x128xf32>
    %max3A_51 = arith.constant 0.000000e+00 : f32
    %max3A_52 = vector.broadcast %max3A_51 : f32 to vector<128x128xf32>
    %max3A_53 = arith.maximumf %add3A_50, %max3A_52 : vector<128x128xf32>
    %get3A_54 = arith.constant 0 : index
    %get3A_55 = arith.constant 0 : index
    %get3A_56 = vector.load %arg6[%get3A_54, %get3A_55] : memref<128x2xf32, #tpu.memory_space<vmem>>, vector<128x2xf32>
    %dot_general3A_57 = arith.constant dense<0.000000e+00> : vector<128x2xf32>
    %dot_general3A_58 = tpu.matmul %max3A_53, %get3A_56, %dot_general3A_57 {dimension_numbers = #tpu.dot_dimension_numbers<[1], [0], [0], [1], [0, 0, 1, 1], [], []>, transpose_lhs_hint = false} : vector<128x128xf32>, vector<128x2xf32>, vector<128x2xf32> -> vector<128x2xf32>
    %get3A_59 = arith.constant 0 : index
    %get3A_60 = arith.constant 0 : index
    %get3A_61 = vector.load %arg7[%get3A_59, %get3A_60] : memref<1x2xf32, #tpu.memory_space<vmem>>, vector<1x2xf32>
    %get3A_62 = vector.shape_cast %get3A_61 : vector<1x2xf32> to vector<2xf32>
    %broadcast_in_dim3A_63 = vector.shape_cast %get3A_62 : vector<2xf32> to vector<1x2xf32>
    %add3A_64 = vector.broadcast %broadcast_in_dim3A_63 : vector<1x2xf32> to vector<128x2xf32>
    %add3A_65 = arith.addf %dot_general3A_58, %add3A_64 : vector<128x2xf32>
    %swap3A_66 = arith.constant 0 : index
    %swap3A_67 = arith.constant 0 : index
    %swap3A_68 = vector.load %arg9[%swap3A_66, %swap3A_67] : memref<128x2xf32, #tpu.memory_space<vmem>>, vector<128x2xf32>
    tpu.vector_store %arg9[%swap3A_66, %swap3A_67], %add3A_65 {strides = array<i32>} : memref<128x2xf32, #tpu.memory_space<vmem>>, vector<128x2xf32>,
    return
  }
}

</mosaic_0001>

<sc_bundles>
// kernel: sparse-core-data-format-call.cloned.1.call-start
scs
called_computation_lowered:
.L_overlay_start_0:
0x0: {  	s2 =	sld [smem:$0x3FD9]  }
0x1: {  	s3 =	sld [smem:$0x3FFE];
	_ =	sdelay $0x1  }
0x2: {  	s1 =	srdreg.scid  }
0x3: {  	s0 =	sand.u32 $0x1, s1  }
0x4: {  	s18 =	sshll.u32 s0, $0xA;
	s2 =	sadd.s32 s3, s2  }
0x5: {  	s2 =	sadd.s32 s2, s18  }
0x6: {  	[smem:$0x3FAE] =	sst s2  }
0x7: {  	_ = 	snop  }
0x8: {  	s2 =	sld [smem:$0x3FC8];
	(tm) =	ssettm $0x1  }
0x9: {  	s19 =	sld [smem:$0x3FFB];
	_ =	sdelay $0x3  }
0xa: {  	_ =	strace s19  }
0xb: {  	s3 =	sld [smem:$0x3FFC];
	_ =	sdelay $0x3  }
0xc: {  	_ =	strace s3  }
0xd: {  	s3 =	sld [smem:$0x3FFD];
	_ =	sdelay $0x3  }
0xe: {  	_ =	strace s3  }
0xf: {  	_ =	strace $0x8FFFFFFF  }
0x10: {  	s20 =	sld [smem:$0x3FDB];
	_ =	sdelay $0x1  }
0x11: {  	s4 =	simm.s32 $_scs_section_size  }
0x12: {  	s5 =	simm.s32 $_size__tile_overlayer_lowered;
	s6 =	simm.s32 $_tile_overlayer_lowered  }
0x13: {  	s23 =	simm.s32 $0x1BFF;
	s22 =	sshll.u32 s6, $0x1;
	s3 =	sadd.s32 s4, s20  }
0x14: {  	s7 =	simm.s32 $0x0;
	s21 =	sshll.u32 s5, $0x1;
	s5 =	sadd.s32 s22, s3  }
0x15: {  	[timem:s7], [sflag:s23] =	dma.local [hbm:s5], s21  }
0x16: {  	_ =	swait.ge [sflag:s23], s21  }
0x17: {  	s4 =	ssub.s32 $0x0, s21;
	[sflag:s23] =	ssyncset.done $0x0  }
0x18: {  	[sflag:s23] =	ssyncadd.s32 s4;
	_ =	sdelay $0x1  }
0x19: {  	s24 =	simm.s32 $0x1B8B  }
0x1a: {  	_ =	swait.ge [sflag:s24], $0x1  }
0x1b: {  	[sflag:s24] =	ssyncset.done $0x0  }
0x1c: {  	s26 =	simm.s32 $0x1B8E;
	s25 =	sld [smem:$0x3FFE];
	[sflag:s24] =	ssyncadd.s32 $0xFFFFFFFF  }
0x1d: {  	s27 =	simm.s32 $execute0_lowered;
	[smem:$0x3FD2] =	sst s26  }
0x1e: {  	s5 =	sshll.u32 s27, $0x1;
	_ =	strace $0x80000046;
	[dreg:$0x1] =	wrdreg $0xFFFFFFFF  }
0x1f: {  	s28 =	simm.s32 $_size_execute0_lowered;
	s3 =	sadd.s32 s3, s5;
	[dreg:$0x0] =	wrdreg $0x0  }
0x20: {  	s5 =	sshll.u32 s28, $0x1;
	[dreg:$0x2] =	wrdreg s3  }
0x21: {  	[dreg:$0x3] =	wrdreg s5  }
0x22: {  	[dreg:$0x4] =	wrdreg $0xC0  }
0x23: {  	_ =	task [dreg:s7], $0x5FFFF  }
0x24: {  	[dreg:$0x1] =	wrdreg $0xFFFFFFFF  }
0x25: {  	[dreg:$0x0] =	wrdreg $0x60  }
0x26: {  	[dreg:$0x2] =	wrdreg s2  }
0x27: {  	[dreg:$0x3] =	wrdreg s25  }
0x28: {  	[dreg:$0x4] =	wrdreg $0x9  }
0x29: {  	_ =	task.clear_ibuf [dreg:s7], $0x5FFFF;
	_ =	strace $0x90000046  }
0x2a: {  	s29 =	simm.s32 $0x9;
	_ =	strace $0x80000048  }
0x2b: {  	_ =	swait.ge [sflag:s29], $0x1  }
0x2c: {  	[sflag:s29] =	ssyncadd.s32 $0xFFFFFFFF  }
0x2d: {  	_ =	strace $0x90000048  }
0x2e: {  	_ =	sfence  }
0x2f: {  	s30 =	sld [smem:$0x0];
	_ =	sdelay $0x2  }
0x30: {  	s31 =	sshll.u32 s1, $0xD;
	s1 =	sshrl.u32 s1, $0x2  }
0x31: {  	s3 =	sand.u32 $0x4000, s31;
	s1 =	sadd.s32 s1, s30  }
0x32: {  	s0 =	sor.u32 s3, s0;
	s1 =	sshll.u32 s1, $0x11  }
0x33: {  	s0 =	sor.u32 s1, s0  }
0x34: {  	s0 =	sadd.s32 $0x8F2B, s0  }
0x35: {  	[sflag:s0] =	ssyncadd.remote.s32 $0x1  }
0x36: {  	_ =	sfence.sel $0xFFFF  }
0x37: {  	[dreg:$0x0] =	wrdreg $0xFFFFFFFF;
	(pc) =	sbr.abs _section_cstart, $3  }
0x38: {  	[dreg:$0x1] =	wrdreg $0xFFFFFFFF  }
0x39: {  	_ =	task.clear_ibuf [dreg:s7], $0x2FFFF;
	_ =	strace $0x9FFFFFFF  }
0x3a: {  	(tm) =	ssettm $0x7FFFFFFF  }
0x3b: {  	_ =	shalt  }
tec
execute0_lowered:
.L_overlay_start_1:
0x0: {  	(tag) =	ssettag $0x1  }
0x1: {  	s1 =	srdreg.scid  }
0x2: {  	s0 =	stileid.u32;
	s2 =	rddreg [dreg:$0x0]  }
0x3: {  	s7 =	rddreg [dreg:$0x1];
	s8 =	simm.s32 $0x15;
	s31 =	simm.s32 $0x2  }
0x4: {  	s9 =	simm.s32 $0x0;
	s10 =	simm.s32 $0x0;
	s1 =	sshll.u32 s1, $0x4  }
0x5: {  	s16 =	simm.s32 $0x0;
	s17 =	simm.s32 $0x0;
	s1 =	sor.u32 s0, s1  }
0x6: {  	s18 =	simm.s32 $0x0;
	s19 =	simm.s32 $0x0;
	s1 =	sand.u32 $0x1C, s1  }
0x7: {  	s11 =	simm.s32 $0x0;
	s14 =	simm.s32 $0x0;
	s3 =	ssub.s32 $0x20, s1  }
0x8: {  	s15 =	simm.s32 $0x0;
	s4 =	sand.u32 $0x3, s0;
	s5 =	sand.u32 $0x1C, s3  }
0x9: {  	p0 =	seq.s32 s4, $0x3;
	p1 =	sne.s32 s5, $0x0;
	s5 =	simm.s32 $0x1  }
.Ltmp0:
0xa: {  	s6 =	sshrl.u32 s3, $0x5;
	s5 =	simm.s32 @!p1 $0x0;
	(pc) =	sbr.rel .LBB1_1-.Ltmp0, $4  }
0xb: {  	s8 =	simm.s32 @!p0 $0x2A;
	s3 =	rddreg [dreg:$0x2];
	s6 =	sadd.s32 s5, s6  }
0xc: {  	_ =	strace $0x80000047;
	s5 =	simm.s32 $0x1;
	s6 =	smul.u32 s6, s8  }
0xd: {  	s7 =	sadd.s32 $0x4400, s7;
	s13 =	smov.u32 s4;
	[sflag:s5] =	ssyncpa.u1 $0x0  }
0xe: {  	s12 =	smov.u32 s1;
	[sflag:s31] =	ssyncpa.u1 $0x0;
	s8 =	sadd.s32 $0x1, s6  }
.LBB1_7:
0xf: {  	s20 =	sadd.s32 $0x1, s11  }
0x10: {  	s16 =	sadd.s32 $0x20, s12;
	s21 =	smov.u32 s12;
	p1 =	sgt.s32 s20, $0x6  }
0x11: {  	s21 =	smov.u32 @p1 s16  }
0x12: {  	s22 =	smov.u32 s13;
	s16 =	sadd.s32 $0x4, s13;
	p2 =	sgt.s32 s21, $0x1F  }
0x13: {  	s22 =	smov.u32 @p2 s16  }
0x14: {  	s16 =	simm.s32 $0x1;
	p3 =	sgt.s32 s22, $0x6  }
0x15: {  	s16 =	simm.s32 @!p3 $0x0  }
0x16: {  	p0 =	slt.u32 s15, $0x2;
	s24 =	sadd.s32 s16, s14  }
0x17: {  	s17 =	smov.u32 s12;
	s20 =	simm.s32 @p1 $0x0;
	p1 =	sgt.s32 s24, $0x2  }
0x18: {  	s23 =	simm.s32 @!p0 $0x2;
	s24 =	simm.s32 @p1 $0x0;
	p1 =	sne.s32 s15, s8  }
.Ltmp1:
0x19: {  	s18 =	smov.u32 s13;
	_ =	swait.ge @!p0 [sflag:s23], $0x4000;
	(pc) =	sbr.rel @!p1 .LBB1_8-.Ltmp1, $4  }
0x1a: {  	s19 =	smov.u32 s14;
	[sflag:s23] =	ssyncset.done @!p0 $0x0;
	s21 =	smov.u32 @p2 s1  }
0x1b: {  	s10 =	sadd.s32 $0x4000, s10;
	[sflag:s23] =	ssyncadd.s32 @!p0 $0xFFFFC000;
	s12 =	smov.u32 s21  }
0x1c: {  	s22 =	smov.u32 @p3 s4;
	s16 =	smov.u32 s11;
	s11 =	smov.u32 s20  }
0x1d: {  	s13 =	smov.u32 s22;
	s15 =	sadd.s32 $0x1, s15;
	s14 =	smov.u32 s24  }
.LBB1_1:
0x1e: {  	p0 =	sge.u32 s15, s6  }
0x1f: {  	s20 =	smul.u32 @!p0 $0xC4000, s14  }
0x20: {  	s21 =	smul.u32 @!p0 $0x1C000, s13  }
0x21: {  	s22 =	sxor.u32 @!p0 $0xFFFFFFFF, s15;
	s23 =	smul.u32 @!p0 $0xE00, s12;
	s20 =	sadd.s32 @!p0 s2, s20  }
0x22: {  	s31 =	sadd.s32 $0xFFFFFFFF, s15;
	s22 =	sshll.u32 @!p0 s22, $0xE;
	s20 =	sadd.s32 @!p0 s21, s20  }
0x23: {  	s21 =	sand.u32 @!p0 $0x4000, s22;
	s22 =	sshll.u32 @!p0 s11, $0x9;
	s20 =	sadd.s32 @!p0 s23, s20  }
0x24: {  	s23 =	simm.s32 @!p0 $0x7000;
	s20 =	sadd.s32 @!p0 s22, s20;
	s22 =	simm.s32 @!p0 $0x1000  }
0x25: {  	[tilespmem:s21], [sflag:$0x1] =	stream.strided.gather @!p0 [hbm4b:s20+s22], $0x4000, s23, s22, $0x38;
	[tilespmem:$0x10000] =	vst v63  }
0x26: {  	p0 =	sge.u32 s31, s6  }
.Ltmp2:
0x27: {  	_ = 	snop;
	(pc) =	sbr.rel @p0 .LBB1_7-.Ltmp2, $1  }
0x28: {  	_ =	sdelay $0x3  }
0x29: {  	s20 =	sand.u32 $0x4000, s10  }
0x2a: {  	_ =	swait.ge [sflag:s5], $0x4000;
	s23 =	sshll.u32 s15, $0xE;
	s21 =	sor.u32 $0x8040, s20  }
0x2b: {  	s22 =	sor.u32 $0x40, s20;
	[sflag:s5] =	ssyncset.done $0x0;
	s31 =	sand.u32 $0x4000, s23  }
0x2c: {  	s23 =	simm.s32 $0x0;
	[sflag:s5] =	ssyncadd.s32 $0xFFFFC000;
	s20 =	sor.u32 $0x8000, s31  }
.LBB1_3:
0x2d: {  	v1 =	vmov s22;
	_ =	sdelay $0x3  }
0x2e: {  	s24 =	simm.s32 $0x0  }
0x2f: {  	v7 =	vld.idx.msk [tilespmem:v1+s24+$0x30 ss:$0x1], $0xffff  }
0x30: {  	v0 =	vmov s21;
	v8 =	vld.idx.msk [tilespmem:v1+s24+$0xFFFFFFC0 ss:$0x1], $0xffff  }
0x31: {  	v6 =	vld.idx.msk [tilespmem:v1+s24+$0xFFFFFFD0 ss:$0x1], $0xffff  }
0x32: {  	v5 =	vld.idx.msk [tilespmem:v1+s24+$0xFFFFFFE0 ss:$0x1], $0xffff  }
0x33: {  	v4 =	vld.idx.msk [tilespmem:v1+s24+$0xFFFFFFF0 ss:$0x1], $0xffff  }
0x34: {  	v2 =	vld.idx.msk [tilespmem:v1+s24+$0x0 ss:$0x1], $0xffff  }
0x35: {  	v3 =	vld.idx.msk [tilespmem:v1+s24+$0x10 ss:$0x1], $0xffff;
	[tilespmem:v0+s24+$0x30 ss:$0x1] =	vst.idx.msk $0xffff, v7  }
0x36: {  	s25 =	simm.s32 $0x80;
	s26 =	simm.s32 $0x400;
	[tilespmem:v0+s24+$0xFFFFFFC0 ss:$0x1] =	vst.idx.msk $0xffff, v8;
	v7 =	vld.idx.msk [tilespmem:v1+s24+$0x20 ss:$0x1], $0xffff  }
.LBB1_4:
0x37: {  	p0 =	sne.s32 s26, $0x3E00;
	v8 =	vld.idx.msk [tilespmem:v1+s25+$0x30 ss:$0x1], $0xffff;
	[tilespmem:v0+s24+$0xFFFFFFD0 ss:$0x1] =	vst.idx.msk $0xffff, v6  }
0x38: {  	v9 =	vld.idx.msk [tilespmem:v1+s25+$0xFFFFFFC0 ss:$0x1], $0xffff;
	[tilespmem:v0+s24+$0xFFFFFFE0 ss:$0x1] =	vst.idx.msk $0xffff, v5  }
0x39: {  	v6 =	vld.idx.msk [tilespmem:v1+s25+$0xFFFFFFD0 ss:$0x1], $0xffff;
	[tilespmem:v0+s24+$0xFFFFFFF0 ss:$0x1] =	vst.idx.msk $0xffff, v4  }
.Ltmp3:
0x3a: {  	v5 =	vld.idx.msk [tilespmem:v1+s25+$0xFFFFFFE0 ss:$0x1], $0xffff;
	[tilespmem:v0+s24+$0x0 ss:$0x1] =	vst.idx.msk $0xffff, v2;
	(pc) =	sbr.rel @p0 .LBB1_4-.Ltmp3, $4  }
0x3b: {  	v4 =	vld.idx.msk [tilespmem:v1+s25+$0xFFFFFFF0 ss:$0x1], $0xffff;
	[tilespmem:v0+s24+$0x10 ss:$0x1] =	vst.idx.msk $0xffff, v3  }
0x3c: {  	v2 =	vld.idx.msk [tilespmem:v1+s25+$0x0 ss:$0x1], $0xffff;
	[tilespmem:v0+s24+$0x20 ss:$0x1] =	vst.idx.msk $0xffff, v7;
	s24 =	smov.u32 s25  }
0x3d: {  	v3 =	vld.idx.msk [tilespmem:v1+s24+$0x10 ss:$0x1], $0xffff;
	[tilespmem:v0+s24+$0x30 ss:$0x1] =	vst.idx.msk $0xffff, v8  }
0x3e: {  	s25 =	sshra.s32 s26, $0x2;
	s26 =	sadd.s32 $0x200, s26;
	[tilespmem:v0+s24+$0xFFFFFFC0 ss:$0x1] =	vst.idx.msk $0xffff, v9;
	v7 =	vld.idx.msk [tilespmem:v1+s24+$0x20 ss:$0x1], $0xffff  }
0x3f: {  	_ =	sdelay $0x3  }
0x40: {  	[tilespmem:v0+s24+$0xFFFFFFD0 ss:$0x1] =	vst.idx.msk $0xffff, v6  }
0x41: {  	v56 =	vld.idx.msk [tilespmem:v1+s25+$0x30 ss:$0x1], $0xffff;
	[tilespmem:v0+s24+$0xFFFFFFE0 ss:$0x1] =	vst.idx.msk $0xffff, v5  }
0x42: {  	v57 =	vld.idx.msk [tilespmem:v1+s25+$0xFFFFFFC0 ss:$0x1], $0xffff;
	[tilespmem:v0+s24+$0xFFFFFFF0 ss:$0x1] =	vst.idx.msk $0xffff, v4  }
0x43: {  	v58 =	vld.idx.msk [tilespmem:v1+s25+$0xFFFFFFD0 ss:$0x1], $0xffff;
	[tilespmem:v0+s24+$0x0 ss:$0x1] =	vst.idx.msk $0xffff, v2  }
0x44: {  	v59 =	vld.idx.msk [tilespmem:v1+s25+$0xFFFFFFE0 ss:$0x1], $0xffff;
	[tilespmem:v0+s24+$0x10 ss:$0x1] =	vst.idx.msk $0xffff, v3  }
0x45: {  	v60 =	vld.idx.msk [tilespmem:v1+s25+$0xFFFFFFF0 ss:$0x1], $0xffff;
	[tilespmem:v0+s24+$0x20 ss:$0x1] =	vst.idx.msk $0xffff, v7  }
0x46: {  	v61 =	vld.idx.msk [tilespmem:v1+s25+$0x0 ss:$0x1], $0xffff;
	[tilespmem:v0+s25+$0x30 ss:$0x1] =	vst.idx.msk $0xffff, v56  }
0x47: {  	v62 =	vld.idx.msk [tilespmem:v1+s25+$0x10 ss:$0x1], $0xffff;
	s23 =	sadd.s32 $0x1, s23;
	[tilespmem:v0+s25+$0xFFFFFFC0 ss:$0x1] =	vst.idx.msk $0xffff, v57  }
0x48: {  	v63 =	vld.idx.msk [tilespmem:v1+s25+$0x20 ss:$0x1], $0xffff;
	p0 =	sne.s32 s23, $0x4;
	[tilespmem:v0+s25+$0xFFFFFFD0 ss:$0x1] =	vst.idx.msk $0xffff, v58  }
.Ltmp4:
0x49: {  	[tilespmem:v0+s25+$0xFFFFFFE0 ss:$0x1] =	vst.idx.msk $0xffff, v59;
	(pc) =	sbr.rel @p0 .LBB1_3-.Ltmp4, $4  }
0x4a: {  	[tilespmem:v0+s25+$0xFFFFFFF0 ss:$0x1] =	vst.idx.msk $0xffff, v60  }
0x4b: {  	[tilespmem:v0+s25+$0x0 ss:$0x1] =	vst.idx.msk $0xffff, v61  }
0x4c: {  	[tilespmem:v0+s25+$0x10 ss:$0x1] =	vst.idx.msk $0xffff, v62  }
0x4d: {  	s21 =	sadd.s32 $0x1000, s21;
	s22 =	sadd.s32 $0x1000, s22;
	[tilespmem:v0+s25+$0x20 ss:$0x1] =	vst.idx.msk $0xffff, v63  }
0x4e: {  	s18 =	smul.u32 $0x54000, s18;
	s19 =	sshll.u32 s19, $0xE  }
.Ltmp5:
0x4f: {  	s19 =	sadd.s32 s7, s19;
	(pc) =	sbr.rel .LBB1_7-.Ltmp5, $4  }
0x50: {  	s16 =	smul.u32 $0xC000, s16;
	s17 =	sshll.u32 s17, $0x9;
	s18 =	sadd.s32 s18, s19  }
0x51: {  	s17 =	sadd.s32 s17, s18  }
0x52: {  	s16 =	sadd.s32 s16, s17  }
0x53: {  	[hbm4b:s16+s9] =	stream.linear.scatter [tilespmem:s20], [sflag:$0x2], $0x4000, $0x38;
	[tilespmem:$0x10000] =	vst v63  }
.LBB1_8:
0x54: {  	_ =	sfence.sel $0x180000  }
0x55: {  	s1 =	simm.s32 $0x1;
	[bflag:$0x0] =	sbarrier.arrive $0xFFFF  }
0x56: {  	s31 =	simm.s32 $0x2;
	[sflag:s1] =	ssyncpa.u1 $0x1  }
0x57: {  	[sflag:s31] =	ssyncpa.u1 $0x1  }
0x58: {  	p0 =	sne.s32 s0, $0x0;
	_ =	strace $0x90000047  }
0x59: {  	s0 =	sadd.s32 @!p0 $0x100000, s3;
	[bflag:$0x2] =	sbarrier.arrive $0xFFFF  }
0x5a: {  	[sflag:s0] =	ssyncadd.tile.s32 @!p0 $0x1;
	_ =	shalt  }
.Lfunc_end1:
_tile_overlayer_lowered:
.L_overlay_start_2:
0x5b: {  	(tag) =	ssettag $0x2  }
0x5c: {  	s0 =	rddreg [dreg:$0x0];
	s2 =	stileid.u32  }
0x5d: {  	s1 =	rddreg [dreg:$0x1];
	p0 =	sne.s32 s2, $0x0  }
0x5e: {  	s3 =	rddreg [dreg:$0x2];
	[bflag:$0x3] =	sbarrier.arrive $0xFFFF;
	s2 =	simm.s32 @!p0 $0x1C01  }
0x5f: {  	[timem:s3], [sflag:s2] =	dma.local @!p0 [hbm:s0], s1  }
0x60: {  	s0 =	simm.s32 @!p0 $0x1  }
0x61: {  	_ =	swait.ge @!p0 [sflag:s0], s1  }
0x62: {  	s1 =	ssub.s32 @!p0 $0x0, s1;
	[sflag:s0] =	ssyncset.done @!p0 $0x0  }
0x63: {  	[sflag:s0] =	ssyncadd.s32 @!p0 s1  }
0x64: {  	[bflag:$0x3] =	sbarrier.arrive $0xFFFF  }
0x65: {  	_ =	shalt  }

</sc_bundles>
